<compile_context>
chip_gen: v7x
topology: tpu7x:2x2x1
jax: 0.10.2.dev20260603
libtpu: 0.0.44.dev20260713+nightly
codegen_flags: <defaults>
</compile_context>

<pallas_src>
import functools

import numpy as np
import jax
import jax.numpy as jnp
from jax import lax
from jax.experimental import pallas as pl
from jax.experimental.pallas import tpu as pltpu
from jax.experimental.pallas import tpu_sc as plsc

IMG = 224
PIX = IMG * IMG
NB = 64
NCH = 3
NWORK = 32
TASKS = NB * NCH
TPW = TASKS // NWORK
ROWS_PER_CHUNK = 8
P = IMG * ROWS_PER_CHUNK
NCHUNK = PIX // P
LO = np.float32(0.001)
HI = np.float32(IMG - 1.001)
D0BIT = np.int32((224 << 24) - (1 << 32))
D1BIT = np.int32(1 << 16)


def _pack_bf16_pair(lo, hi):
    ul = lax.bitcast_convert_type(lo, jnp.uint32)
    uh = lax.bitcast_convert_type(hi, jnp.uint32)
    rl = (ul + jnp.uint32(0x7FFF) + ((ul >> 16) & 1)) >> 16
    rh = (uh + jnp.uint32(0x7FFF) + ((uh >> 16) & 1)) & jnp.uint32(0xFFFF0000)
    return lax.bitcast_convert_type(rl | rh, jnp.int32)


def _prep_side(q0, q1, m):
    q0 = jnp.clip(q0, LO, HI)
    q1 = jnp.clip(q1, LO, HI)
    f0 = q0.astype(jnp.int32)
    fr0 = q0 - f0.astype(jnp.float32)
    wf0 = 1.0 - fr0
    nz0 = fr0 != 0.0
    wc0 = jnp.where(nz0, fr0, jnp.float32(1.0))
    f1 = q1.astype(jnp.int32)
    fr1 = q1 - f1.astype(jnp.float32)
    wf1 = 1.0 - fr1
    nz1 = fr1 != 0.0
    wc1 = jnp.where(nz1, fr1, jnp.float32(1.0))
    K = ((f1 + IMG * f0)
         | jnp.where(nz1, D1BIT, jnp.int32(0))
         | jnp.where(nz0, D0BIT, jnp.int32(0)))
    A = _pack_bf16_pair(wf0 * m, wc0 * m)
    B = _pack_bf16_pair(wf1, wc1)
    return K, A, B


_BBATCH = 8
_BPIX = PIX // 7


def _prep_body(rowr, colr, c0r, c1r, m1r, m2r,
               kar, aar, bar, kbr, abr, bbr):
    row = rowr[...][None, :]
    col = colr[...][None, :]
    c0 = c0r[...]
    c1 = c1r[...]
    ka, aa, ba = _prep_side(row + c0, col + c1, m1r[...])
    kb, ab, bb = _prep_side(row - c0, col - c1, m2r[...])
    kar[...] = ka
    aar[...] = aa
    bar[...] = ba
    kbr[...] = kb
    abr[...] = ab
    bbr[...] = bb


def _make_prep():
    vspec = pl.BlockSpec((_BPIX,), lambda n, p: (p,))
    bspec = pl.BlockSpec((_BBATCH, _BPIX), lambda n, p: (n, p))
    ospec = jax.ShapeDtypeStruct((NB, PIX), jnp.int32)
    return pl.pallas_call(
        _prep_body,
        grid=(NB // _BBATCH, PIX // _BPIX),
        in_specs=[vspec, vspec, bspec, bspec, bspec, bspec],
        out_specs=[bspec] * 6,
        out_shape=[ospec] * 6,
    )



def _sample(plane, K, A, B):
    iff = K & 0xFFFF
    d1 = (K >> 16) & 1
    d0s = lax.shift_right_logical(K, 24)
    icf = iff + d0s
    ifc = iff + d1
    icc = icf + d1
    wf0m = plsc.bitcast(A << 16, jnp.float32)
    wc0m = plsc.bitcast(A, jnp.float32)
    wf1 = plsc.bitcast(B << 16, jnp.float32)
    wc1 = plsc.bitcast(B, jnp.float32)
    g_ff = plsc.load_gather(plane, [iff])
    g_cf = plsc.load_gather(plane, [icf])
    g_fc = plsc.load_gather(plane, [ifc])
    g_cc = plsc.load_gather(plane, [icc])
    return (wf1 * (wf0m * g_ff + wc0m * g_cf)
            + wc1 * (wf0m * g_fc + wc0m * g_cc))


def _body(im1, im2, Ka, Aa, Ba, Kb, Ab, Bb, out,
          plane1, plane2,
          inb0, inb1,
          outb0, outb1,
          sem_pl, sem_in0, sem_in1, sem_out0, sem_out1):
    wid = lax.axis_index("s") * 2 + lax.axis_index("c")

    srcs = (Ka, Aa, Ba, Kb, Ab, Bb)
    inbufs = (inb0, inb1)
    outbufs = (outb0, outb1)
    sem_in = (sem_in0, sem_in1)
    sem_out = (sem_out0, sem_out1)

    def do_task(t, carry):
        task = wid * TPW + t
        n = task // NCH

        def fire_in(k, b):
            off = k * P
            for i, src in enumerate(srcs):
                pltpu.async_copy(src.at[n, pl.ds(off, P)],
                                 inbufs[b].at[pl.ds(i * P, P)], sem_in[b])

        def drain_in(b):
            pltpu.make_async_copy(Ka.at[n, pl.ds(0, 6 * P)],
                                  inbufs[b], sem_in[b]).wait()

        def wait_out(b):
            pltpu.make_async_copy(outbufs[b],
                                  out.at[task, pl.ds(0, P)],
                                  sem_out[b]).wait()

        cp1 = pltpu.async_copy(im1.at[task], plane1, sem_pl)
        cp2 = pltpu.async_copy(im2.at[task], plane2, sem_pl)
        fire_in(0, 0)
        cp1.wait()
        cp2.wait()

        def do_pair(kk, carry):
            for b in range(2):
                k = kk * 2 + b
                if b == 0:
                    fire_in(k + 1, 1 - b)
                else:
                    @pl.when(kk < (NCHUNK // 2 - 1))
                    def _():
                        fire_in(k + 1, 1 - b)
                drain_in(b)

                @pl.when(kk >= 1)
                def _():
                    wait_out(b)

                inb = inbufs[b]
                outb = outbufs[b]
                off = k * P

                @plsc.parallel_loop(0, P, 16, unroll=3)
                def _(j):
                    a = _sample(plane1, inb[pl.ds(j, 16)],
                                inb[pl.ds(P + j, 16)],
                                inb[pl.ds(2 * P + j, 16)])
                    b_ = _sample(plane2, inb[pl.ds(3 * P + j, 16)],
                                 inb[pl.ds(4 * P + j, 16)],
                                 inb[pl.ds(5 * P + j, 16)])
                    outb[pl.ds(j, 16)] = a + b_

                pltpu.async_copy(outb, out.at[task, pl.ds(off, P)],
                                 sem_out[b])
            return carry

        lax.fori_loop(0, NCHUNK // 2, do_pair, 0)
        wait_out(0)
        wait_out(1)
        return carry

    lax.fori_loop(0, TPW, do_task, 0)


def _make_warp():
    mesh = plsc.VectorSubcoreMesh(core_axis_name="c", subcore_axis_name="s")
    return pl.kernel(
        _body,
        out_type=jax.ShapeDtypeStruct((NB * NCH, PIX), jnp.float32),
        mesh=mesh,
        compiler_params=pltpu.CompilerParams(needs_layout_passes=False),
        scratch_types=[
            pltpu.VMEM((PIX,), jnp.float32),
            pltpu.VMEM((PIX,), jnp.float32),
        ] + [pltpu.VMEM((6 * P,), jnp.int32)] * 2 + [
            pltpu.VMEM((P,), jnp.float32),
            pltpu.VMEM((P,), jnp.float32),
            pltpu.SemaphoreType.DMA,
            pltpu.SemaphoreType.DMA,
            pltpu.SemaphoreType.DMA,
            pltpu.SemaphoreType.DMA,
            pltpu.SemaphoreType.DMA,
        ],
    )


@jax.jit
def kernel(im1, im2, C, M1, M2):
    c0f = C[:, 0].reshape(NB, PIX)
    c1f = C[:, 1].reshape(NB, PIX)
    M1f = M1.reshape(NB, PIX)
    M2f = M2.reshape(NB, PIX)
    i = lax.iota(jnp.int32, PIX)
    rowi = i // IMG
    rowf = rowi.astype(jnp.float32)
    colf = (i - rowi * IMG).astype(jnp.float32)
    Ka, Aa, Ba, Kb, Ab, Bb = _make_prep()(rowf, colf, c0f, c1f, M1f, M2f)
    im1f = im1.reshape(NB * NCH, PIX)
    im2f = im2.reshape(NB * NCH, PIX)
    out = _make_warp()(im1f, im2f, Ka, Aa, Ba, Kb, Ab, Bb)
    return out.reshape(NB, NCH, IMG, IMG)

# --- scband reference (transcript-rebuilt; emitter-appended) ---
"""Pipeline reference for scband-view-morphing-71768903516714 (READ-ONLY COPY).

The authoritative reference and input builder live on the scoring server;
editing this copy changes nothing except your own understanding.
"""

import jax, jax.numpy as jnp
import numpy as np

IMG_DIM = 224

def _make_q():
    x = np.arange(IMG_DIM)
    y = np.arange(IMG_DIM)
    q = np.array([np.repeat(x, len(y)), np.tile(y, len(x))]).astype(np.float32)
    return jnp.asarray(q)

def setup_inputs(seed: int = 0):
    key = jax.random.key(seed)
    k1, k2, k3, k4, k5 = jax.random.split(key, 5)
    N = 64
    im1 = jax.random.normal(k1, (N, 3, IMG_DIM, IMG_DIM), jnp.float32)
    im2 = jax.random.normal(k2, (N, 3, IMG_DIM, IMG_DIM), jnp.float32)
    C = jax.random.normal(k3, (N, 2, IMG_DIM, IMG_DIM), jnp.float32)
    M1 = jax.random.uniform(k4, (N, 1, IMG_DIM, IMG_DIM), dtype=jnp.float32)
    M2 = jax.random.uniform(k5, (N, 1, IMG_DIM, IMG_DIM), dtype=jnp.float32)
    return {"im1": im1, "im2": im2, "C": C, "M1": M1, "M2": M2}

def _flatten(x):
    N, Ch, H, W = x.shape
    return x.reshape(N, Ch, H * W)

def _coord_to_ind(x):
    return (x[:, 1] + IMG_DIM * x[:, 0]).astype(jnp.int32)

def _get_pixel(point, neighbor, image):
    weight = 1.0 - jnp.abs(point - neighbor)
    weight = weight[:, 0] * weight[:, 1]
    inds = jax.lax.stop_gradient(_coord_to_ind(neighbor))
    a = jnp.take_along_axis(image[:, 0], inds, axis=1)
    b = jnp.take_along_axis(image[:, 1], inds, axis=1)
    c = jnp.take_along_axis(image[:, 2], inds, axis=1)
    pixel = jnp.stack((a, b, c), axis=1)
    return weight[:, None, :] * pixel

def _get_masked_rp(image, mask, qi_orig):
    imflat = _flatten(image)
    qi = jnp.clip(qi_orig, 0.001, IMG_DIM - 1.001)
    fl0 = jnp.floor(qi[:, 0:1]); fl1 = jnp.floor(qi[:, 1:2])
    ce0 = jnp.ceil(qi[:, 0:1]); ce1 = jnp.ceil(qi[:, 1:2])
    res_img_flat = (_get_pixel(qi, jnp.concatenate((fl0, fl1), axis=1), imflat)
                    + _get_pixel(qi, jnp.concatenate((ce0, fl1), axis=1), imflat)
                    + _get_pixel(qi, jnp.concatenate((fl0, ce1), axis=1), imflat)
                    + _get_pixel(qi, jnp.concatenate((ce0, ce1), axis=1), imflat))
    res_img = res_img_flat.reshape(image.shape)
    return res_img * jnp.broadcast_to(mask, res_img.shape)

def reference(im1, im2, C, M1, M2):
    q = _make_q()
    Cflat = _flatten(C)
    qb = jnp.broadcast_to(q[None, :, :], Cflat.shape)
    a = _get_masked_rp(im1, M1, qb + Cflat)
    b = _get_masked_rp(im2, M2, qb - Cflat)
    return a + b

if __name__ == "__main__":
    import jax
    _d = setup_inputs()
    print(jax.jit(kernel)(*tuple(_d.values())))

</pallas_src>

<mosaic_0001>
#map = affine_map<(d0, d1) -> (0, 0)>
module attributes {stable_mosaic.version = 14 : i64} {
  func.func @_body(%arg0: i32, %arg1: i32, %arg2: memref<192x50176xf32, #tpu.memory_space<hbm>>, %arg3: memref<192x50176xf32, #tpu.memory_space<hbm>>, %arg4: memref<64x50176xi32, #tpu.memory_space<hbm>>, %arg5: memref<64x50176xi32, #tpu.memory_space<hbm>>, %arg6: memref<64x50176xi32, #tpu.memory_space<hbm>>, %arg7: memref<64x50176xi32, #tpu.memory_space<hbm>>, %arg8: memref<64x50176xi32, #tpu.memory_space<hbm>>, %arg9: memref<64x50176xi32, #tpu.memory_space<hbm>>, %arg10: memref<192x50176xf32, #tpu.memory_space<hbm>>, %arg11: memref<50176xf32, #tpu.memory_space<vmem>>, %arg12: memref<50176xf32, #tpu.memory_space<vmem>>, %arg13: memref<10752xi32, #tpu.memory_space<vmem>>, %arg14: memref<10752xi32, #tpu.memory_space<vmem>>, %arg15: memref<1792xf32, #tpu.memory_space<vmem>>, %arg16: memref<1792xf32, #tpu.memory_space<vmem>>, %arg17: memref<!tpu.dma_semaphore, #tpu.memory_space<semaphore_mem>>, %arg18: memref<!tpu.dma_semaphore, #tpu.memory_space<semaphore_mem>>, %arg19: memref<!tpu.dma_semaphore, #tpu.memory_space<semaphore_mem>>, %arg20: memref<!tpu.dma_semaphore, #tpu.memory_space<semaphore_mem>>, %arg21: memref<!tpu.dma_semaphore, #tpu.memory_space<semaphore_mem>>) attributes {dimension_semantics = [#tpu.dimension_semantics<core_parallel>, #tpu.dimension_semantics<subcore_parallel>], iteration_bounds = array<i64: 2, 16>, scalar_prefetch = 0 : i64, scratch_operands = 11 : i64, tpu.core_type = #tpu.core_type<sc_vector_subcore>, window_params = [{transform_indices = #map}, {transform_indices = #map}, {transform_indices = #map}, {transform_indices = #map}, {transform_indices = #map}, {transform_indices = #map}, {transform_indices = #map}, {transform_indices = #map}, {transform_indices = #map}]} {
    %mul3A = arith.constant 2 : i32
    %mul3A_0 = arith.muli %arg1, %mul3A : i32
    %add3A = arith.addi %mul3A_0, %arg0 : i32
    %scan3A = arith.constant 0 : i32
    %scan3A_1 = arith.constant 0 : i32
    %scan3A_2 = arith.constant 6 : i32
    %scan3A_3 = arith.addi %scan3A_1, %scan3A_2 : i32
    %scan3A_4 = arith.constant 1 : i32
    scf.for %scan3A_6 = %scan3A_1 to %scan3A_3 step %scan3A_4  : i32 {
      %mul3A_7 = arith.constant 6 : i32
      %mul3A_8 = arith.muli %add3A, %mul3A_7 : i32
      %add3A_9 = arith.addi %mul3A_8, %scan3A_6 : i32
      %jit3A = arith.constant 3 : i32
      %div3A = arith.divsi %add3A_9, %jit3A : i32
      %sign3A = arith.constant 0 : i32
      %sign3A_10 = arith.cmpi sgt, %add3A_9, %sign3A : i32
      %sign3A_11 = arith.extui %sign3A_10 : i1 to i32
      %sign3A_12 = arith.constant 0 : i32
      %sign3A_13 = arith.cmpi slt, %add3A_9, %sign3A_12 : i32
      %sign3A_14 = arith.extui %sign3A_13 : i1 to i32
      %sign3A_15 = arith.subi %sign3A_11, %sign3A_14 : i32
      %sign3A_16 = arith.constant 0 : i32
      %sign3A_17 = arith.cmpi sgt, %jit3A, %sign3A_16 : i32
      %sign3A_18 = arith.extui %sign3A_17 : i1 to i32
      %sign3A_19 = arith.constant 0 : i32
      %sign3A_20 = arith.cmpi slt, %jit3A, %sign3A_19 : i32
      %sign3A_21 = arith.extui %sign3A_20 : i1 to i32
      %sign3A_22 = arith.subi %sign3A_18, %sign3A_21 : i32
      %ne3A = arith.cmpi ne, %sign3A_15, %sign3A_22 : i32
      %rem3A = arith.remsi %add3A_9, %jit3A : i32
      %ne3A_23 = arith.constant 0 : i32
      %ne3A_24 = arith.cmpi ne, %rem3A, %ne3A_23 : i32
      %and3A = arith.andi %ne3A, %ne3A_24 : i1
      %sub3A = arith.constant 1 : i32
      %sub3A_25 = arith.subi %div3A, %sub3A : i32
      %select_n3A = arith.select %and3A, %sub3A_25, %div3A : i32
      %dma_start3A = arith.constant 0 : i32
      %dma_start3A_26 = tpu.memref_slice %arg2[%add3A_9, %dma_start3A] : memref<192x50176xf32, #tpu.memory_space<hbm>> -> memref<1x50176xf32, #tpu.memory_space<hbm>>
      %dma_start3A_27 = tpu.memref_squeeze %dma_start3A_26 : memref<1x50176xf32, #tpu.memory_space<hbm>> -> memref<50176xf32, #tpu.memory_space<hbm>>
      %dma_start3A_28 = arith.constant 0 : i32
      %dma_start3A_29 = tpu.memref_slice %arg2[%add3A_9, %dma_start3A_28] : memref<192x50176xf32, #tpu.memory_space<hbm>> -> memref<1x50176xf32, #tpu.memory_space<hbm>>
      %dma_start3A_30 = tpu.memref_squeeze %dma_start3A_29 : memref<1x50176xf32, #tpu.memory_space<hbm>> -> memref<50176xf32, #tpu.memory_space<hbm>>
      tpu.enqueue_dma source(%dma_start3A_30 : memref<50176xf32, #tpu.memory_space<hbm>>) target(%arg11 : memref<50176xf32, #tpu.memory_space<vmem>>) target_semaphore(%arg17 : memref<!tpu.dma_semaphore, #tpu.memory_space<semaphore_mem>>)
      %dma_start3A_31 = arith.constant 0 : i32
      %dma_start3A_32 = tpu.memref_slice %arg3[%add3A_9, %dma_start3A_31] : memref<192x50176xf32, #tpu.memory_space<hbm>> -> memref<1x50176xf32, #tpu.memory_space<hbm>>
      %dma_start3A_33 = tpu.memref_squeeze %dma_start3A_32 : memref<1x50176xf32, #tpu.memory_space<hbm>> -> memref<50176xf32, #tpu.memory_space<hbm>>
      %dma_start3A_34 = arith.constant 0 : i32
      %dma_start3A_35 = tpu.memref_slice %arg3[%add3A_9, %dma_start3A_34] : memref<192x50176xf32, #tpu.memory_space<hbm>> -> memref<1x50176xf32, #tpu.memory_space<hbm>>
      %dma_start3A_36 = tpu.memref_squeeze %dma_start3A_35 : memref<1x50176xf32, #tpu.memory_space<hbm>> -> memref<50176xf32, #tpu.memory_space<hbm>>
      tpu.enqueue_dma source(%dma_start3A_36 : memref<50176xf32, #tpu.memory_space<hbm>>) target(%arg12 : memref<50176xf32, #tpu.memory_space<vmem>>) target_semaphore(%arg17 : memref<!tpu.dma_semaphore, #tpu.memory_space<semaphore_mem>>)
      %dma_start3A_37 = arith.constant 0 : i32
      %dma_start3A_38 = tpu.memref_slice %arg13[%dma_start3A_37] : memref<10752xi32, #tpu.memory_space<vmem>> -> memref<1792xi32, #tpu.memory_space<vmem>>
      %dma_start3A_39 = arith.constant 0 : i32
      %dma_start3A_40 = tpu.memref_slice %arg4[%select_n3A, %dma_start3A_39] : memref<64x50176xi32, #tpu.memory_space<hbm>> -> memref<1x1792xi32, #tpu.memory_space<hbm>>
      %dma_start3A_41 = tpu.memref_squeeze %dma_start3A_40 : memref<1x1792xi32, #tpu.memory_space<hbm>> -> memref<1792xi32, #tpu.memory_space<hbm>>
      %dma_start3A_42 = arith.constant 0 : i32
      %dma_start3A_43 = tpu.memref_slice %arg13[%dma_start3A_42] : memref<10752xi32, #tpu.memory_space<vmem>> -> memref<1792xi32, #tpu.memory_space<vmem>>
      %dma_start3A_44 = arith.constant 0 : i32
      %dma_start3A_45 = tpu.memref_slice %arg4[%select_n3A, %dma_start3A_44] : memref<64x50176xi32, #tpu.memory_space<hbm>> -> memref<1x1792xi32, #tpu.memory_space<hbm>>
      %dma_start3A_46 = tpu.memref_squeeze %dma_start3A_45 : memref<1x1792xi32, #tpu.memory_space<hbm>> -> memref<1792xi32, #tpu.memory_space<hbm>>
      tpu.enqueue_dma source(%dma_start3A_46 : memref<1792xi32, #tpu.memory_space<hbm>>) target(%dma_start3A_43 : memref<1792xi32, #tpu.memory_space<vmem>>) target_semaphore(%arg18 : memref<!tpu.dma_semaphore, #tpu.memory_space<semaphore_mem>>)
      %dma_start3A_47 = arith.constant 1792 : i32
      %dma_start3A_48 = tpu.memref_slice %arg13[%dma_start3A_47] : memref<10752xi32, #tpu.memory_space<vmem>> -> memref<1792xi32, #tpu.memory_space<vmem>>
      %dma_start3A_49 = arith.constant 0 : i32
      %dma_start3A_50 = tpu.memref_slice %arg5[%select_n3A, %dma_start3A_49] : memref<64x50176xi32, #tpu.memory_space<hbm>> -> memref<1x1792xi32, #tpu.memory_space<hbm>>
      %dma_start3A_51 = tpu.memref_squeeze %dma_start3A_50 : memref<1x1792xi32, #tpu.memory_space<hbm>> -> memref<1792xi32, #tpu.memory_space<hbm>>
      %dma_start3A_52 = arith.constant 1792 : i32
      %dma_start3A_53 = tpu.memref_slice %arg13[%dma_start3A_52] : memref<10752xi32, #tpu.memory_space<vmem>> -> memref<1792xi32, #tpu.memory_space<vmem>>
      %dma_start3A_54 = arith.constant 0 : i32
      %dma_start3A_55 = tpu.memref_slice %arg5[%select_n3A, %dma_start3A_54] : memref<64x50176xi32, #tpu.memory_space<hbm>> -> memref<1x1792xi32, #tpu.memory_space<hbm>>
      %dma_start3A_56 = tpu.memref_squeeze %dma_start3A_55 : memref<1x1792xi32, #tpu.memory_space<hbm>> -> memref<1792xi32, #tpu.memory_space<hbm>>
      tpu.enqueue_dma source(%dma_start3A_56 : memref<1792xi32, #tpu.memory_space<hbm>>) target(%dma_start3A_53 : memref<1792xi32, #tpu.memory_space<vmem>>) target_semaphore(%arg18 : memref<!tpu.dma_semaphore, #tpu.memory_space<semaphore_mem>>)
      %dma_start3A_57 = arith.constant 3584 : i32
      %dma_start3A_58 = tpu.memref_slice %arg13[%dma_start3A_57] : memref<10752xi32, #tpu.memory_space<vmem>> -> memref<1792xi32, #tpu.memory_space<vmem>>
      %dma_start3A_59 = arith.constant 0 : i32
      %dma_start3A_60 = tpu.memref_slice %arg6[%select_n3A, %dma_start3A_59] : memref<64x50176xi32, #tpu.memory_space<hbm>> -> memref<1x1792xi32, #tpu.memory_space<hbm>>
      %dma_start3A_61 = tpu.memref_squeeze %dma_start3A_60 : memref<1x1792xi32, #tpu.memory_space<hbm>> -> memref<1792xi32, #tpu.memory_space<hbm>>
      %dma_start3A_62 = arith.constant 3584 : i32
      %dma_start3A_63 = tpu.memref_slice %arg13[%dma_start3A_62] : memref<10752xi32, #tpu.memory_space<vmem>> -> memref<1792xi32, #tpu.memory_space<vmem>>
      %dma_start3A_64 = arith.constant 0 : i32
      %dma_start3A_65 = tpu.memref_slice %arg6[%select_n3A, %dma_start3A_64] : memref<64x50176xi32, #tpu.memory_space<hbm>> -> memref<1x1792xi32, #tpu.memory_space<hbm>>
      %dma_start3A_66 = tpu.memref_squeeze %dma_start3A_65 : memref<1x1792xi32, #tpu.memory_space<hbm>> -> memref<1792xi32, #tpu.memory_space<hbm>>
      tpu.enqueue_dma source(%dma_start3A_66 : memref<1792xi32, #tpu.memory_space<hbm>>) target(%dma_start3A_63 : memref<1792xi32, #tpu.memory_space<vmem>>) target_semaphore(%arg18 : memref<!tpu.dma_semaphore, #tpu.memory_space<semaphore_mem>>)
      %dma_start3A_67 = arith.constant 5376 : i32
      %dma_start3A_68 = tpu.memref_slice %arg13[%dma_start3A_67] : memref<10752xi32, #tpu.memory_space<vmem>> -> memref<1792xi32, #tpu.memory_space<vmem>>
      %dma_start3A_69 = arith.constant 0 : i32
      %dma_start3A_70 = tpu.memref_slice %arg7[%select_n3A, %dma_start3A_69] : memref<64x50176xi32, #tpu.memory_space<hbm>> -> memref<1x1792xi32, #tpu.memory_space<hbm>>
      %dma_start3A_71 = tpu.memref_squeeze %dma_start3A_70 : memref<1x1792xi32, #tpu.memory_space<hbm>> -> memref<1792xi32, #tpu.memory_space<hbm>>
      %dma_start3A_72 = arith.constant 5376 : i32
      %dma_start3A_73 = tpu.memref_slice %arg13[%dma_start3A_72] : memref<10752xi32, #tpu.memory_space<vmem>> -> memref<1792xi32, #tpu.memory_space<vmem>>
      %dma_start3A_74 = arith.constant 0 : i32
      %dma_start3A_75 = tpu.memref_slice %arg7[%select_n3A, %dma_start3A_74] : memref<64x50176xi32, #tpu.memory_space<hbm>> -> memref<1x1792xi32, #tpu.memory_space<hbm>>
      %dma_start3A_76 = tpu.memref_squeeze %dma_start3A_75 : memref<1x1792xi32, #tpu.memory_space<hbm>> -> memref<1792xi32, #tpu.memory_space<hbm>>
      tpu.enqueue_dma source(%dma_start3A_76 : memref<1792xi32, #tpu.memory_space<hbm>>) target(%dma_start3A_73 : memref<1792xi32, #tpu.memory_space<vmem>>) target_semaphore(%arg18 : memref<!tpu.dma_semaphore, #tpu.memory_space<semaphore_mem>>)
      %dma_start3A_77 = arith.constant 7168 : i32
      %dma_start3A_78 = tpu.memref_slice %arg13[%dma_start3A_77] : memref<10752xi32, #tpu.memory_space<vmem>> -> memref<1792xi32, #tpu.memory_space<vmem>>
      %dma_start3A_79 = arith.constant 0 : i32
      %dma_start3A_80 = tpu.memref_slice %arg8[%select_n3A, %dma_start3A_79] : memref<64x50176xi32, #tpu.memory_space<hbm>> -> memref<1x1792xi32, #tpu.memory_space<hbm>>
      %dma_start3A_81 = tpu.memref_squeeze %dma_start3A_80 : memref<1x1792xi32, #tpu.memory_space<hbm>> -> memref<1792xi32, #tpu.memory_space<hbm>>
      %dma_start3A_82 = arith.constant 7168 : i32
      %dma_start3A_83 = tpu.memref_slice %arg13[%dma_start3A_82] : memref<10752xi32, #tpu.memory_space<vmem>> -> memref<1792xi32, #tpu.memory_space<vmem>>
      %dma_start3A_84 = arith.constant 0 : i32
      %dma_start3A_85 = tpu.memref_slice %arg8[%select_n3A, %dma_start3A_84] : memref<64x50176xi32, #tpu.memory_space<hbm>> -> memref<1x1792xi32, #tpu.memory_space<hbm>>
      %dma_start3A_86 = tpu.memref_squeeze %dma_start3A_85 : memref<1x1792xi32, #tpu.memory_space<hbm>> -> memref<1792xi32, #tpu.memory_space<hbm>>
      tpu.enqueue_dma source(%dma_start3A_86 : memref<1792xi32, #tpu.memory_space<hbm>>) target(%dma_start3A_83 : memref<1792xi32, #tpu.memory_space<vmem>>) target_semaphore(%arg18 : memref<!tpu.dma_semaphore, #tpu.memory_space<semaphore_mem>>)
      %dma_start3A_87 = arith.constant 8960 : i32
      %dma_start3A_88 = tpu.memref_slice %arg13[%dma_start3A_87] : memref<10752xi32, #tpu.memory_space<vmem>> -> memref<1792xi32, #tpu.memory_space<vmem>>
      %dma_start3A_89 = arith.constant 0 : i32
      %dma_start3A_90 = tpu.memref_slice %arg9[%select_n3A, %dma_start3A_89] : memref<64x50176xi32, #tpu.memory_space<hbm>> -> memref<1x1792xi32, #tpu.memory_space<hbm>>
      %dma_start3A_91 = tpu.memref_squeeze %dma_start3A_90 : memref<1x1792xi32, #tpu.memory_space<hbm>> -> memref<1792xi32, #tpu.memory_space<hbm>>
      %dma_start3A_92 = arith.constant 8960 : i32
      %dma_start3A_93 = tpu.memref_slice %arg13[%dma_start3A_92] : memref<10752xi32, #tpu.memory_space<vmem>> -> memref<1792xi32, #tpu.memory_space<vmem>>
      %dma_start3A_94 = arith.constant 0 : i32
      %dma_start3A_95 = tpu.memref_slice %arg9[%select_n3A, %dma_start3A_94] : memref<64x50176xi32, #tpu.memory_space<hbm>> -> memref<1x1792xi32, #tpu.memory_space<hbm>>
      %dma_start3A_96 = tpu.memref_squeeze %dma_start3A_95 : memref<1x1792xi32, #tpu.memory_space<hbm>> -> memref<1792xi32, #tpu.memory_space<hbm>>
      tpu.enqueue_dma source(%dma_start3A_96 : memref<1792xi32, #tpu.memory_space<hbm>>) target(%dma_start3A_93 : memref<1792xi32, #tpu.memory_space<vmem>>) target_semaphore(%arg18 : memref<!tpu.dma_semaphore, #tpu.memory_space<semaphore_mem>>)
      %dma_wait3A = arith.constant 0 : i32
      %dma_wait3A_97 = tpu.memref_slice %arg2[%add3A_9, %dma_wait3A] : memref<192x50176xf32, #tpu.memory_space<hbm>> -> memref<1x50176xf32, #tpu.memory_space<hbm>>
      %dma_wait3A_98 = tpu.memref_squeeze %dma_wait3A_97 : memref<1x50176xf32, #tpu.memory_space<hbm>> -> memref<50176xf32, #tpu.memory_space<hbm>>
      %dma_wait3A_99 = arith.constant 0 : i32
      %dma_wait3A_100 = tpu.memref_slice %arg2[%add3A_9, %dma_wait3A_99] : memref<192x50176xf32, #tpu.memory_space<hbm>> -> memref<1x50176xf32, #tpu.memory_space<hbm>>
      %dma_wait3A_101 = tpu.memref_squeeze %dma_wait3A_100 : memref<1x50176xf32, #tpu.memory_space<hbm>> -> memref<50176xf32, #tpu.memory_space<hbm>>
      tpu.wait_dma2 semaphore(%arg17 : memref<!tpu.dma_semaphore, #tpu.memory_space<semaphore_mem>>) src(%dma_wait3A_101 : memref<50176xf32, #tpu.memory_space<hbm>>) dst(%arg11 : memref<50176xf32, #tpu.memory_space<vmem>>)
      %dma_wait3A_102 = arith.constant 0 : i32
      %dma_wait3A_103 = tpu.memref_slice %arg3[%add3A_9, %dma_wait3A_102] : memref<192x50176xf32, #tpu.memory_space<hbm>> -> memref<1x50176xf32, #tpu.memory_space<hbm>>
      %dma_wait3A_104 = tpu.memref_squeeze %dma_wait3A_103 : memref<1x50176xf32, #tpu.memory_space<hbm>> -> memref<50176xf32, #tpu.memory_space<hbm>>
      %dma_wait3A_105 = arith.constant 0 : i32
      %dma_wait3A_106 = tpu.memref_slice %arg3[%add3A_9, %dma_wait3A_105] : memref<192x50176xf32, #tpu.memory_space<hbm>> -> memref<1x50176xf32, #tpu.memory_space<hbm>>
      %dma_wait3A_107 = tpu.memref_squeeze %dma_wait3A_106 : memref<1x50176xf32, #tpu.memory_space<hbm>> -> memref<50176xf32, #tpu.memory_space<hbm>>
      tpu.wait_dma2 semaphore(%arg17 : memref<!tpu.dma_semaphore, #tpu.memory_space<semaphore_mem>>) src(%dma_wait3A_107 : memref<50176xf32, #tpu.memory_space<hbm>>) dst(%arg12 : memref<50176xf32, #tpu.memory_space<vmem>>)
      %scan3A_108 = arith.constant 0 : i32
      %scan3A_109 = arith.constant 0 : i32
      %scan3A_110 = arith.constant 14 : i32
      %scan3A_111 = arith.addi %scan3A_109, %scan3A_110 : i32
      %scan3A_112 = arith.constant 1 : i32
      scf.for %scan3A_126 = %scan3A_109 to %scan3A_111 step %scan3A_112  : i32 {
        %mul3A_127 = arith.constant 2 : i32
        %mul3A_128 = arith.muli %scan3A_126, %mul3A_127 : i32
        %add3A_129 = arith.constant 0 : i32
        %add3A_130 = arith.addi %mul3A_128, %add3A_129 : i32
        %add3A_131 = arith.constant 1 : i32
        %add3A_132 = arith.addi %add3A_130, %add3A_131 : i32
        %mul3A_133 = arith.constant 1792 : i32
        %mul3A_134 = arith.muli %add3A_132, %mul3A_133 : i32
        %dma_start3A_135 = arith.constant 0 : i32
        %dma_start3A_136 = tpu.memref_slice %arg14[%dma_start3A_135] : memref<10752xi32, #tpu.memory_space<vmem>> -> memref<1792xi32, #tpu.memory_space<vmem>>
        %dma_start3A_137 = tpu.memref_slice %arg4[%select_n3A, %mul3A_134] : memref<64x50176xi32, #tpu.memory_space<hbm>> -> memref<1x1792xi32, #tpu.memory_space<hbm>>
        %dma_start3A_138 = tpu.memref_squeeze %dma_start3A_137 : memref<1x1792xi32, #tpu.memory_space<hbm>> -> memref<1792xi32, #tpu.memory_space<hbm>>
        %dma_start3A_139 = arith.constant 0 : i32
        %dma_start3A_140 = tpu.memref_slice %arg14[%dma_start3A_139] : memref<10752xi32, #tpu.memory_space<vmem>> -> memref<1792xi32, #tpu.memory_space<vmem>>
        %dma_start3A_141 = tpu.memref_slice %arg4[%select_n3A, %mul3A_134] : memref<64x50176xi32, #tpu.memory_space<hbm>> -> memref<1x1792xi32, #tpu.memory_space<hbm>>
        %dma_start3A_142 = tpu.memref_squeeze %dma_start3A_141 : memref<1x1792xi32, #tpu.memory_space<hbm>> -> memref<1792xi32, #tpu.memory_space<hbm>>
        tpu.enqueue_dma source(%dma_start3A_142 : memref<1792xi32, #tpu.memory_space<hbm>>) target(%dma_start3A_140 : memref<1792xi32, #tpu.memory_space<vmem>>) target_semaphore(%arg19 : memref<!tpu.dma_semaphore, #tpu.memory_space<semaphore_mem>>)
        %dma_start3A_143 = arith.constant 1792 : i32
        %dma_start3A_144 = tpu.memref_slice %arg14[%dma_start3A_143] : memref<10752xi32, #tpu.memory_space<vmem>> -> memref<1792xi32, #tpu.memory_space<vmem>>
        %dma_start3A_145 = tpu.memref_slice %arg5[%select_n3A, %mul3A_134] : memref<64x50176xi32, #tpu.memory_space<hbm>> -> memref<1x1792xi32, #tpu.memory_space<hbm>>
        %dma_start3A_146 = tpu.memref_squeeze %dma_start3A_145 : memref<1x1792xi32, #tpu.memory_space<hbm>> -> memref<1792xi32, #tpu.memory_space<hbm>>
        %dma_start3A_147 = arith.constant 1792 : i32
        %dma_start3A_148 = tpu.memref_slice %arg14[%dma_start3A_147] : memref<10752xi32, #tpu.memory_space<vmem>> -> memref<1792xi32, #tpu.memory_space<vmem>>
        %dma_start3A_149 = tpu.memref_slice %arg5[%select_n3A, %mul3A_134] : memref<64x50176xi32, #tpu.memory_space<hbm>> -> memref<1x1792xi32, #tpu.memory_space<hbm>>
        %dma_start3A_150 = tpu.memref_squeeze %dma_start3A_149 : memref<1x1792xi32, #tpu.memory_space<hbm>> -> memref<1792xi32, #tpu.memory_space<hbm>>
        tpu.enqueue_dma source(%dma_start3A_150 : memref<1792xi32, #tpu.memory_space<hbm>>) target(%dma_start3A_148 : memref<1792xi32, #tpu.memory_space<vmem>>) target_semaphore(%arg19 : memref<!tpu.dma_semaphore, #tpu.memory_space<semaphore_mem>>)
        %dma_start3A_151 = arith.constant 3584 : i32
        %dma_start3A_152 = tpu.memref_slice %arg14[%dma_start3A_151] : memref<10752xi32, #tpu.memory_space<vmem>> -> memref<1792xi32, #tpu.memory_space<vmem>>
        %dma_start3A_153 = tpu.memref_slice %arg6[%select_n3A, %mul3A_134] : memref<64x50176xi32, #tpu.memory_space<hbm>> -> memref<1x1792xi32, #tpu.memory_space<hbm>>
        %dma_start3A_154 = tpu.memref_squeeze %dma_start3A_153 : memref<1x1792xi32, #tpu.memory_space<hbm>> -> memref<1792xi32, #tpu.memory_space<hbm>>
        %dma_start3A_155 = arith.constant 3584 : i32
        %dma_start3A_156 = tpu.memref_slice %arg14[%dma_start3A_155] : memref<10752xi32, #tpu.memory_space<vmem>> -> memref<1792xi32, #tpu.memory_space<vmem>>
        %dma_start3A_157 = tpu.memref_slice %arg6[%select_n3A, %mul3A_134] : memref<64x50176xi32, #tpu.memory_space<hbm>> -> memref<1x1792xi32, #tpu.memory_space<hbm>>
        %dma_start3A_158 = tpu.memref_squeeze %dma_start3A_157 : memref<1x1792xi32, #tpu.memory_space<hbm>> -> memref<1792xi32, #tpu.memory_space<hbm>>
        tpu.enqueue_dma source(%dma_start3A_158 : memref<1792xi32, #tpu.memory_space<hbm>>) target(%dma_start3A_156 : memref<1792xi32, #tpu.memory_space<vmem>>) target_semaphore(%arg19 : memref<!tpu.dma_semaphore, #tpu.memory_space<semaphore_mem>>)
        %dma_start3A_159 = arith.constant 5376 : i32
        %dma_start3A_160 = tpu.memref_slice %arg14[%dma_start3A_159] : memref<10752xi32, #tpu.memory_space<vmem>> -> memref<1792xi32, #tpu.memory_space<vmem>>
        %dma_start3A_161 = tpu.memref_slice %arg7[%select_n3A, %mul3A_134] : memref<64x50176xi32, #tpu.memory_space<hbm>> -> memref<1x1792xi32, #tpu.memory_space<hbm>>
        %dma_start3A_162 = tpu.memref_squeeze %dma_start3A_161 : memref<1x1792xi32, #tpu.memory_space<hbm>> -> memref<1792xi32, #tpu.memory_space<hbm>>
        %dma_start3A_163 = arith.constant 5376 : i32
        %dma_start3A_164 = tpu.memref_slice %arg14[%dma_start3A_163] : memref<10752xi32, #tpu.memory_space<vmem>> -> memref<1792xi32, #tpu.memory_space<vmem>>
        %dma_start3A_165 = tpu.memref_slice %arg7[%select_n3A, %mul3A_134] : memref<64x50176xi32, #tpu.memory_space<hbm>> -> memref<1x1792xi32, #tpu.memory_space<hbm>>
        %dma_start3A_166 = tpu.memref_squeeze %dma_start3A_165 : memref<1x1792xi32, #tpu.memory_space<hbm>> -> memref<1792xi32, #tpu.memory_space<hbm>>
        tpu.enqueue_dma source(%dma_start3A_166 : memref<1792xi32, #tpu.memory_space<hbm>>) target(%dma_start3A_164 : memref<1792xi32, #tpu.memory_space<vmem>>) target_semaphore(%arg19 : memref<!tpu.dma_semaphore, #tpu.memory_space<semaphore_mem>>)
        %dma_start3A_167 = arith.constant 7168 : i32
        %dma_start3A_168 = tpu.memref_slice %arg14[%dma_start3A_167] : memref<10752xi32, #tpu.memory_space<vmem>> -> memref<1792xi32, #tpu.memory_space<vmem>>
        %dma_start3A_169 = tpu.memref_slice %arg8[%select_n3A, %mul3A_134] : memref<64x50176xi32, #tpu.memory_space<hbm>> -> memref<1x1792xi32, #tpu.memory_space<hbm>>
        %dma_start3A_170 = tpu.memref_squeeze %dma_start3A_169 : memref<1x1792xi32, #tpu.memory_space<hbm>> -> memref<1792xi32, #tpu.memory_space<hbm>>
        %dma_start3A_171 = arith.constant 7168 : i32
        %dma_start3A_172 = tpu.memref_slice %arg14[%dma_start3A_171] : memref<10752xi32, #tpu.memory_space<vmem>> -> memref<1792xi32, #tpu.memory_space<vmem>>
        %dma_start3A_173 = tpu.memref_slice %arg8[%select_n3A, %mul3A_134] : memref<64x50176xi32, #tpu.memory_space<hbm>> -> memref<1x1792xi32, #tpu.memory_space<hbm>>
        %dma_start3A_174 = tpu.memref_squeeze %dma_start3A_173 : memref<1x1792xi32, #tpu.memory_space<hbm>> -> memref<1792xi32, #tpu.memory_space<hbm>>
        tpu.enqueue_dma source(%dma_start3A_174 : memref<1792xi32, #tpu.memory_space<hbm>>) target(%dma_start3A_172 : memref<1792xi32, #tpu.memory_space<vmem>>) target_semaphore(%arg19 : memref<!tpu.dma_semaphore, #tpu.memory_space<semaphore_mem>>)
        %dma_start3A_175 = arith.constant 8960 : i32
        %dma_start3A_176 = tpu.memref_slice %arg14[%dma_start3A_175] : memref<10752xi32, #tpu.memory_space<vmem>> -> memref<1792xi32, #tpu.memory_space<vmem>>
        %dma_start3A_177 = tpu.memref_slice %arg9[%select_n3A, %mul3A_134] : memref<64x50176xi32, #tpu.memory_space<hbm>> -> memref<1x1792xi32, #tpu.memory_space<hbm>>
        %dma_start3A_178 = tpu.memref_squeeze %dma_start3A_177 : memref<1x1792xi32, #tpu.memory_space<hbm>> -> memref<1792xi32, #tpu.memory_space<hbm>>
        %dma_start3A_179 = arith.constant 8960 : i32
        %dma_start3A_180 = tpu.memref_slice %arg14[%dma_start3A_179] : memref<10752xi32, #tpu.memory_space<vmem>> -> memref<1792xi32, #tpu.memory_space<vmem>>
        %dma_start3A_181 = tpu.memref_slice %arg9[%select_n3A, %mul3A_134] : memref<64x50176xi32, #tpu.memory_space<hbm>> -> memref<1x1792xi32, #tpu.memory_space<hbm>>
        %dma_start3A_182 = tpu.memref_squeeze %dma_start3A_181 : memref<1x1792xi32, #tpu.memory_space<hbm>> -> memref<1792xi32, #tpu.memory_space<hbm>>
        tpu.enqueue_dma source(%dma_start3A_182 : memref<1792xi32, #tpu.memory_space<hbm>>) target(%dma_start3A_180 : memref<1792xi32, #tpu.memory_space<vmem>>) target_semaphore(%arg19 : memref<!tpu.dma_semaphore, #tpu.memory_space<semaphore_mem>>)
        %dma_wait3A_183 = arith.constant 0 : i32
        %dma_wait3A_184 = tpu.memref_slice %arg4[%select_n3A, %dma_wait3A_183] : memref<64x50176xi32, #tpu.memory_space<hbm>> -> memref<1x10752xi32, #tpu.memory_space<hbm>>
        %dma_wait3A_185 = tpu.memref_squeeze %dma_wait3A_184 : memref<1x10752xi32, #tpu.memory_space<hbm>> -> memref<10752xi32, #tpu.memory_space<hbm>>
        %dma_wait3A_186 = arith.constant 0 : i32
        %dma_wait3A_187 = tpu.memref_slice %arg4[%select_n3A, %dma_wait3A_186] : memref<64x50176xi32, #tpu.memory_space<hbm>> -> memref<1x10752xi32, #tpu.memory_space<hbm>>
        %dma_wait3A_188 = tpu.memref_squeeze %dma_wait3A_187 : memref<1x10752xi32, #tpu.memory_space<hbm>> -> memref<10752xi32, #tpu.memory_space<hbm>>
        tpu.wait_dma2 semaphore(%arg18 : memref<!tpu.dma_semaphore, #tpu.memory_space<semaphore_mem>>) src(%dma_wait3A_188 : memref<10752xi32, #tpu.memory_space<hbm>>) dst(%arg13 : memref<10752xi32, #tpu.memory_space<vmem>>)
        %ge3A = arith.constant 1 : i32
        %ge3A_189 = arith.cmpi sge, %scan3A_126, %ge3A : i32
        %convert_element_type3A = arith.extui %ge3A_189 : i1 to i32
        %cond3A = arith.constant 0 : i32
        %cond3A_190 = arith.cmpi ne, %convert_element_type3A, %cond3A : i32
        scf.if %cond3A_190 {
          %dma_wait3A_227 = arith.constant 0 : i32
          %dma_wait3A_228 = tpu.memref_slice %arg10[%add3A_9, %dma_wait3A_227] : memref<192x50176xf32, #tpu.memory_space<hbm>> -> memref<1x1792xf32, #tpu.memory_space<hbm>>
          %dma_wait3A_229 = tpu.memref_squeeze %dma_wait3A_228 : memref<1x1792xf32, #tpu.memory_space<hbm>> -> memref<1792xf32, #tpu.memory_space<hbm>>
          %dma_wait3A_230 = arith.constant 0 : i32
          %dma_wait3A_231 = tpu.memref_slice %arg10[%add3A_9, %dma_wait3A_230] : memref<192x50176xf32, #tpu.memory_space<hbm>> -> memref<1x1792xf32, #tpu.memory_space<hbm>>
          %dma_wait3A_232 = tpu.memref_squeeze %dma_wait3A_231 : memref<1x1792xf32, #tpu.memory_space<hbm>> -> memref<1792xf32, #tpu.memory_space<hbm>>
          tpu.wait_dma2 semaphore(%arg20 : memref<!tpu.dma_semaphore, #tpu.memory_space<semaphore_mem>>) src(%arg15 : memref<1792xf32, #tpu.memory_space<vmem>>) dst(%dma_wait3A_232 : memref<1792xf32, #tpu.memory_space<hbm>>)
        } else {
        }
        %mul3A_191 = arith.constant 1792 : i32
        %mul3A_192 = arith.muli %add3A_130, %mul3A_191 : i32
        %parallel_loop3A = arith.constant 0 : i32
        %parallel_loop3A_193 = arith.constant 1792 : i32
        %parallel_loop3A_194 = arith.constant 16 : i32
        scf.for %parallel_loop3A_227 = %parallel_loop3A to %parallel_loop3A_193 step %parallel_loop3A_194  : i32 {
          %parallel_loop3A_228 = arith.index_cast %parallel_loop3A_227 : i32 to index
          %parallel_loop3A_229 = tpu.vector_load %arg13[%parallel_loop3A_228] {strides = array<i32>} : memref<10752xi32, #tpu.memory_space<vmem>>, vector<16xi32>,
          %parallel_loop3A_230 = arith.constant 1792 : i32
          %parallel_loop3A_231 = arith.addi %parallel_loop3A_230, %parallel_loop3A_227 : i32
          %parallel_loop3A_232 = arith.index_cast %parallel_loop3A_231 : i32 to index
          %parallel_loop3A_233 = tpu.vector_load %arg13[%parallel_loop3A_232] {strides = array<i32>} : memref<10752xi32, #tpu.memory_space<vmem>>, vector<16xi32>,
          %parallel_loop3A_234 = arith.constant 3584 : i32
          %parallel_loop3A_235 = arith.addi %parallel_loop3A_234, %parallel_loop3A_227 : i32
          %parallel_loop3A_236 = arith.index_cast %parallel_loop3A_235 : i32 to index
          %parallel_loop3A_237 = tpu.vector_load %arg13[%parallel_loop3A_236] {strides = array<i32>} : memref<10752xi32, #tpu.memory_space<vmem>>, vector<16xi32>,
          %parallel_loop3A_238 = arith.constant 65535 : i32
          %parallel_loop3A_239 = vector.broadcast %parallel_loop3A_238 : i32 to vector<16xi32>
          %parallel_loop3A_240 = arith.andi %parallel_loop3A_229, %parallel_loop3A_239 : vector<16xi32>
          %parallel_loop3A_241 = arith.constant 16 : i32
          %parallel_loop3A_242 = vector.broadcast %parallel_loop3A_241 : i32 to vector<16xi32>
          %parallel_loop3A_243 = arith.shrsi %parallel_loop3A_229, %parallel_loop3A_242 : vector<16xi32>
          %parallel_loop3A_244 = arith.constant 1 : i32
          %parallel_loop3A_245 = vector.broadcast %parallel_loop3A_244 : i32 to vector<16xi32>
          %parallel_loop3A_246 = arith.andi %parallel_loop3A_243, %parallel_loop3A_245 : vector<16xi32>
          %parallel_loop3A_247 = arith.constant 24 : i32
          %parallel_loop3A_248 = vector.broadcast %parallel_loop3A_247 : i32 to vector<16xi32>
          %parallel_loop3A_249 = arith.shrui %parallel_loop3A_229, %parallel_loop3A_248 : vector<16xi32>
          %parallel_loop3A_250 = arith.addi %parallel_loop3A_240, %parallel_loop3A_249 : vector<16xi32>
          %parallel_loop3A_251 = arith.addi %parallel_loop3A_240, %parallel_loop3A_246 : vector<16xi32>
          %parallel_loop3A_252 = arith.addi %parallel_loop3A_250, %parallel_loop3A_246 : vector<16xi32>
          %parallel_loop3A_253 = arith.constant 16 : i32
          %parallel_loop3A_254 = vector.broadcast %parallel_loop3A_253 : i32 to vector<16xi32>
          %parallel_loop3A_255 = arith.shli %parallel_loop3A_233, %parallel_loop3A_254 : vector<16xi32>
          %parallel_loop3A_256 = vector.bitcast %parallel_loop3A_255 : vector<16xi32> to vector<16xf32>
          %parallel_loop3A_257 = vector.bitcast %parallel_loop3A_233 : vector<16xi32> to vector<16xf32>
          %parallel_loop3A_258 = arith.constant 16 : i32
          %parallel_loop3A_259 = vector.broadcast %parallel_loop3A_258 : i32 to vector<16xi32>
          %parallel_loop3A_260 = arith.shli %parallel_loop3A_237, %parallel_loop3A_259 : vector<16xi32>
          %parallel_loop3A_261 = vector.bitcast %parallel_loop3A_260 : vector<16xi32> to vector<16xf32>
          %parallel_loop3A_262 = vector.bitcast %parallel_loop3A_237 : vector<16xi32> to vector<16xf32>
          %parallel_loop3A_263 = tpu.vector_load_idx %arg11[%parallel_loop3A_240] : memref<50176xf32, #tpu.memory_space<vmem>>[vector<16xi32>], vector<16xf32>,
          %parallel_loop3A_264 = tpu.vector_load_idx %arg11[%parallel_loop3A_250] : memref<50176xf32, #tpu.memory_space<vmem>>[vector<16xi32>], vector<16xf32>,
          %parallel_loop3A_265 = tpu.vector_load_idx %arg11[%parallel_loop3A_251] : memref<50176xf32, #tpu.memory_space<vmem>>[vector<16xi32>], vector<16xf32>,
          %parallel_loop3A_266 = tpu.vector_load_idx %arg11[%parallel_loop3A_252] : memref<50176xf32, #tpu.memory_space<vmem>>[vector<16xi32>], vector<16xf32>,
          %parallel_loop3A_267 = arith.mulf %parallel_loop3A_256, %parallel_loop3A_263 : vector<16xf32>
          %parallel_loop3A_268 = arith.mulf %parallel_loop3A_257, %parallel_loop3A_264 : vector<16xf32>
          %parallel_loop3A_269 = arith.addf %parallel_loop3A_267, %parallel_loop3A_268 : vector<16xf32>
          %parallel_loop3A_270 = arith.mulf %parallel_loop3A_261, %parallel_loop3A_269 : vector<16xf32>
          %parallel_loop3A_271 = arith.mulf %parallel_loop3A_256, %parallel_loop3A_265 : vector<16xf32>
          %parallel_loop3A_272 = arith.mulf %parallel_loop3A_257, %parallel_loop3A_266 : vector<16xf32>
          %parallel_loop3A_273 = arith.addf %parallel_loop3A_271, %parallel_loop3A_272 : vector<16xf32>
          %parallel_loop3A_274 = arith.mulf %parallel_loop3A_262, %parallel_loop3A_273 : vector<16xf32>
          %parallel_loop3A_275 = arith.addf %parallel_loop3A_270, %parallel_loop3A_274 : vector<16xf32>
          %parallel_loop3A_276 = arith.constant 5376 : i32
          %parallel_loop3A_277 = arith.addi %parallel_loop3A_276, %parallel_loop3A_227 : i32
          %parallel_loop3A_278 = arith.index_cast %parallel_loop3A_277 : i32 to index
          %parallel_loop3A_279 = tpu.vector_load %arg13[%parallel_loop3A_278] {strides = array<i32>} : memref<10752xi32, #tpu.memory_space<vmem>>, vector<16xi32>,
          %parallel_loop3A_280 = arith.constant 7168 : i32
          %parallel_loop3A_281 = arith.addi %parallel_loop3A_280, %parallel_loop3A_227 : i32
          %parallel_loop3A_282 = arith.index_cast %parallel_loop3A_281 : i32 to index
          %parallel_loop3A_283 = tpu.vector_load %arg13[%parallel_loop3A_282] {strides = array<i32>} : memref<10752xi32, #tpu.memory_space<vmem>>, vector<16xi32>,
          %parallel_loop3A_284 = arith.constant 8960 : i32
          %parallel_loop3A_285 = arith.addi %parallel_loop3A_284, %parallel_loop3A_227 : i32
          %parallel_loop3A_286 = arith.index_cast %parallel_loop3A_285 : i32 to index
          %parallel_loop3A_287 = tpu.vector_load %arg13[%parallel_loop3A_286] {strides = array<i32>} : memref<10752xi32, #tpu.memory_space<vmem>>, vector<16xi32>,
          %parallel_loop3A_288 = arith.constant 65535 : i32
          %parallel_loop3A_289 = vector.broadcast %parallel_loop3A_288 : i32 to vector<16xi32>
          %parallel_loop3A_290 = arith.andi %parallel_loop3A_279, %parallel_loop3A_289 : vector<16xi32>
          %parallel_loop3A_291 = arith.constant 16 : i32
          %parallel_loop3A_292 = vector.broadcast %parallel_loop3A_291 : i32 to vector<16xi32>
          %parallel_loop3A_293 = arith.shrsi %parallel_loop3A_279, %parallel_loop3A_292 : vector<16xi32>
          %parallel_loop3A_294 = arith.constant 1 : i32
          %parallel_loop3A_295 = vector.broadcast %parallel_loop3A_294 : i32 to vector<16xi32>
          %parallel_loop3A_296 = arith.andi %parallel_loop3A_293, %parallel_loop3A_295 : vector<16xi32>
          %parallel_loop3A_297 = arith.constant 24 : i32
          %parallel_loop3A_298 = vector.broadcast %parallel_loop3A_297 : i32 to vector<16xi32>
          %parallel_loop3A_299 = arith.shrui %parallel_loop3A_279, %parallel_loop3A_298 : vector<16xi32>
          %parallel_loop3A_300 = arith.addi %parallel_loop3A_290, %parallel_loop3A_299 : vector<16xi32>
          %parallel_loop3A_301 = arith.addi %parallel_loop3A_290, %parallel_loop3A_296 : vector<16xi32>
          %parallel_loop3A_302 = arith.addi %parallel_loop3A_300, %parallel_loop3A_296 : vector<16xi32>
          %parallel_loop3A_303 = arith.constant 16 : i32
          %parallel_loop3A_304 = vector.broadcast %parallel_loop3A_303 : i32 to vector<16xi32>
          %parallel_loop3A_305 = arith.shli %parallel_loop3A_283, %parallel_loop3A_304 : vector<16xi32>
          %parallel_loop3A_306 = vector.bitcast %parallel_loop3A_305 : vector<16xi32> to vector<16xf32>
          %parallel_loop3A_307 = vector.bitcast %parallel_loop3A_283 : vector<16xi32> to vector<16xf32>
          %parallel_loop3A_308 = arith.constant 16 : i32
          %parallel_loop3A_309 = vector.broadcast %parallel_loop3A_308 : i32 to vector<16xi32>
          %parallel_loop3A_310 = arith.shli %parallel_loop3A_287, %parallel_loop3A_309 : vector<16xi32>
          %parallel_loop3A_311 = vector.bitcast %parallel_loop3A_310 : vector<16xi32> to vector<16xf32>
          %parallel_loop3A_312 = vector.bitcast %parallel_loop3A_287 : vector<16xi32> to vector<16xf32>
          %parallel_loop3A_313 = tpu.vector_load_idx %arg12[%parallel_loop3A_290] : memref<50176xf32, #tpu.memory_space<vmem>>[vector<16xi32>], vector<16xf32>,
          %parallel_loop3A_314 = tpu.vector_load_idx %arg12[%parallel_loop3A_300] : memref<50176xf32, #tpu.memory_space<vmem>>[vector<16xi32>], vector<16xf32>,
          %parallel_loop3A_315 = tpu.vector_load_idx %arg12[%parallel_loop3A_301] : memref<50176xf32, #tpu.memory_space<vmem>>[vector<16xi32>], vector<16xf32>,
          %parallel_loop3A_316 = tpu.vector_load_idx %arg12[%parallel_loop3A_302] : memref<50176xf32, #tpu.memory_space<vmem>>[vector<16xi32>], vector<16xf32>,
          %parallel_loop3A_317 = arith.mulf %parallel_loop3A_306, %parallel_loop3A_313 : vector<16xf32>
          %parallel_loop3A_318 = arith.mulf %parallel_loop3A_307, %parallel_loop3A_314 : vector<16xf32>
          %parallel_loop3A_319 = arith.addf %parallel_loop3A_317, %parallel_loop3A_318 : vector<16xf32>
          %parallel_loop3A_320 = arith.mulf %parallel_loop3A_311, %parallel_loop3A_319 : vector<16xf32>
          %parallel_loop3A_321 = arith.mulf %parallel_loop3A_306, %parallel_loop3A_315 : vector<16xf32>
          %parallel_loop3A_322 = arith.mulf %parallel_loop3A_307, %parallel_loop3A_316 : vector<16xf32>
          %parallel_loop3A_323 = arith.addf %parallel_loop3A_321, %parallel_loop3A_322 : vector<16xf32>
          %parallel_loop3A_324 = arith.mulf %parallel_loop3A_312, %parallel_loop3A_323 : vector<16xf32>
          %parallel_loop3A_325 = arith.addf %parallel_loop3A_320, %parallel_loop3A_324 : vector<16xf32>
          %parallel_loop3A_326 = arith.addf %parallel_loop3A_275, %parallel_loop3A_325 : vector<16xf32>
          %parallel_loop3A_327 = arith.index_cast %parallel_loop3A_227 : i32 to index
          %parallel_loop3A_328 = tpu.vector_load %arg15[%parallel_loop3A_327] {strides = array<i32>} : memref<1792xf32, #tpu.memory_space<vmem>>, vector<16xf32>,
          tpu.vector_store %arg15[%parallel_loop3A_327], %parallel_loop3A_326 {strides = array<i32>} : memref<1792xf32, #tpu.memory_space<vmem>>, vector<16xf32>,
        } {sc.loop_unroll_factor = 3 : i64, sc.parallel_access}
        %dma_start3A_195 = tpu.memref_slice %arg10[%add3A_9, %mul3A_192] : memref<192x50176xf32, #tpu.memory_space<hbm>> -> memref<1x1792xf32, #tpu.memory_space<hbm>>
        %dma_start3A_196 = tpu.memref_squeeze %dma_start3A_195 : memref<1x1792xf32, #tpu.memory_space<hbm>> -> memref<1792xf32, #tpu.memory_space<hbm>>
        %dma_start3A_197 = tpu.memref_slice %arg10[%add3A_9, %mul3A_192] : memref<192x50176xf32, #tpu.memory_space<hbm>> -> memref<1x1792xf32, #tpu.memory_space<hbm>>
        %dma_start3A_198 = tpu.memref_squeeze %dma_start3A_197 : memref<1x1792xf32, #tpu.memory_space<hbm>> -> memref<1792xf32, #tpu.memory_space<hbm>>
        tpu.enqueue_dma source(%arg15 : memref<1792xf32, #tpu.memory_space<vmem>>) target(%dma_start3A_198 : memref<1792xf32, #tpu.memory_space<hbm>>) target_semaphore(%arg20 : memref<!tpu.dma_semaphore, #tpu.memory_space<semaphore_mem>>)
        %mul3A_199 = arith.constant 2 : i32
        %mul3A_200 = arith.muli %scan3A_126, %mul3A_199 : i32
        %add3A_201 = arith.constant 1 : i32
        %add3A_202 = arith.addi %mul3A_200, %add3A_201 : i32
        %lt3A = arith.constant 13 : i32
        %lt3A_203 = arith.cmpi slt, %scan3A_126, %lt3A : i32
        %convert_element_type3A_204 = arith.extui %lt3A_203 : i1 to i32
        %cond3A_205 = arith.constant 0 : i32
        %cond3A_206 = arith.cmpi ne, %convert_element_type3A_204, %cond3A_205 : i32
        scf.if %cond3A_206 {
          %add3A_227 = arith.constant 1 : i32
          %add3A_228 = arith.addi %add3A_202, %add3A_227 : i32
          %mul3A_229 = arith.constant 1792 : i32
          %mul3A_230 = arith.muli %add3A_228, %mul3A_229 : i32
          %dma_start3A_231 = arith.constant 0 : i32
          %dma_start3A_232 = tpu.memref_slice %arg13[%dma_start3A_231] : memref<10752xi32, #tpu.memory_space<vmem>> -> memref<1792xi32, #tpu.memory_space<vmem>>
          %dma_start3A_233 = tpu.memref_slice %arg4[%select_n3A, %mul3A_230] : memref<64x50176xi32, #tpu.memory_space<hbm>> -> memref<1x1792xi32, #tpu.memory_space<hbm>>
          %dma_start3A_234 = tpu.memref_squeeze %dma_start3A_233 : memref<1x1792xi32, #tpu.memory_space<hbm>> -> memref<1792xi32, #tpu.memory_space<hbm>>
          %dma_start3A_235 = arith.constant 0 : i32
          %dma_start3A_236 = tpu.memref_slice %arg13[%dma_start3A_235] : memref<10752xi32, #tpu.memory_space<vmem>> -> memref<1792xi32, #tpu.memory_space<vmem>>
          %dma_start3A_237 = tpu.memref_slice %arg4[%select_n3A, %mul3A_230] : memref<64x50176xi32, #tpu.memory_space<hbm>> -> memref<1x1792xi32, #tpu.memory_space<hbm>>
          %dma_start3A_238 = tpu.memref_squeeze %dma_start3A_237 : memref<1x1792xi32, #tpu.memory_space<hbm>> -> memref<1792xi32, #tpu.memory_space<hbm>>
          tpu.enqueue_dma source(%dma_start3A_238 : memref<1792xi32, #tpu.memory_space<hbm>>) target(%dma_start3A_236 : memref<1792xi32, #tpu.memory_space<vmem>>) target_semaphore(%arg18 : memref<!tpu.dma_semaphore, #tpu.memory_space<semaphore_mem>>)
          %dma_start3A_239 = arith.constant 1792 : i32
          %dma_start3A_240 = tpu.memref_slice %arg13[%dma_start3A_239] : memref<10752xi32, #tpu.memory_space<vmem>> -> memref<1792xi32, #tpu.memory_space<vmem>>
          %dma_start3A_241 = tpu.memref_slice %arg5[%select_n3A, %mul3A_230] : memref<64x50176xi32, #tpu.memory_space<hbm>> -> memref<1x1792xi32, #tpu.memory_space<hbm>>
          %dma_start3A_242 = tpu.memref_squeeze %dma_start3A_241 : memref<1x1792xi32, #tpu.memory_space<hbm>> -> memref<1792xi32, #tpu.memory_space<hbm>>
          %dma_start3A_243 = arith.constant 1792 : i32
          %dma_start3A_244 = tpu.memref_slice %arg13[%dma_start3A_243] : memref<10752xi32, #tpu.memory_space<vmem>> -> memref<1792xi32, #tpu.memory_space<vmem>>
          %dma_start3A_245 = tpu.memref_slice %arg5[%select_n3A, %mul3A_230] : memref<64x50176xi32, #tpu.memory_space<hbm>> -> memref<1x1792xi32, #tpu.memory_space<hbm>>
          %dma_start3A_246 = tpu.memref_squeeze %dma_start3A_245 : memref<1x1792xi32, #tpu.memory_space<hbm>> -> memref<1792xi32, #tpu.memory_space<hbm>>
          tpu.enqueue_dma source(%dma_start3A_246 : memref<1792xi32, #tpu.memory_space<hbm>>) target(%dma_start3A_244 : memref<1792xi32, #tpu.memory_space<vmem>>) target_semaphore(%arg18 : memref<!tpu.dma_semaphore, #tpu.memory_space<semaphore_mem>>)
          %dma_start3A_247 = arith.constant 3584 : i32
          %dma_start3A_248 = tpu.memref_slice %arg13[%dma_start3A_247] : memref<10752xi32, #tpu.memory_space<vmem>> -> memref<1792xi32, #tpu.memory_space<vmem>>
          %dma_start3A_249 = tpu.memref_slice %arg6[%select_n3A, %mul3A_230] : memref<64x50176xi32, #tpu.memory_space<hbm>> -> memref<1x1792xi32, #tpu.memory_space<hbm>>
          %dma_start3A_250 = tpu.memref_squeeze %dma_start3A_249 : memref<1x1792xi32, #tpu.memory_space<hbm>> -> memref<1792xi32, #tpu.memory_space<hbm>>
          %dma_start3A_251 = arith.constant 3584 : i32
          %dma_start3A_252 = tpu.memref_slice %arg13[%dma_start3A_251] : memref<10752xi32, #tpu.memory_space<vmem>> -> memref<1792xi32, #tpu.memory_space<vmem>>
          %dma_start3A_253 = tpu.memref_slice %arg6[%select_n3A, %mul3A_230] : memref<64x50176xi32, #tpu.memory_space<hbm>> -> memref<1x1792xi32, #tpu.memory_space<hbm>>
          %dma_start3A_254 = tpu.memref_squeeze %dma_start3A_253 : memref<1x1792xi32, #tpu.memory_space<hbm>> -> memref<1792xi32, #tpu.memory_space<hbm>>
          tpu.enqueue_dma source(%dma_start3A_254 : memref<1792xi32, #tpu.memory_space<hbm>>) target(%dma_start3A_252 : memref<1792xi32, #tpu.memory_space<vmem>>) target_semaphore(%arg18 : memref<!tpu.dma_semaphore, #tpu.memory_space<semaphore_mem>>)
          %dma_start3A_255 = arith.constant 5376 : i32
          %dma_start3A_256 = tpu.memref_slice %arg13[%dma_start3A_255] : memref<10752xi32, #tpu.memory_space<vmem>> -> memref<1792xi32, #tpu.memory_space<vmem>>
          %dma_start3A_257 = tpu.memref_slice %arg7[%select_n3A, %mul3A_230] : memref<64x50176xi32, #tpu.memory_space<hbm>> -> memref<1x1792xi32, #tpu.memory_space<hbm>>
          %dma_start3A_258 = tpu.memref_squeeze %dma_start3A_257 : memref<1x1792xi32, #tpu.memory_space<hbm>> -> memref<1792xi32, #tpu.memory_space<hbm>>
          %dma_start3A_259 = arith.constant 5376 : i32
          %dma_start3A_260 = tpu.memref_slice %arg13[%dma_start3A_259] : memref<10752xi32, #tpu.memory_space<vmem>> -> memref<1792xi32, #tpu.memory_space<vmem>>
          %dma_start3A_261 = tpu.memref_slice %arg7[%select_n3A, %mul3A_230] : memref<64x50176xi32, #tpu.memory_space<hbm>> -> memref<1x1792xi32, #tpu.memory_space<hbm>>
          %dma_start3A_262 = tpu.memref_squeeze %dma_start3A_261 : memref<1x1792xi32, #tpu.memory_space<hbm>> -> memref<1792xi32, #tpu.memory_space<hbm>>
          tpu.enqueue_dma source(%dma_start3A_262 : memref<1792xi32, #tpu.memory_space<hbm>>) target(%dma_start3A_260 : memref<1792xi32, #tpu.memory_space<vmem>>) target_semaphore(%arg18 : memref<!tpu.dma_semaphore, #tpu.memory_space<semaphore_mem>>)
          %dma_start3A_263 = arith.constant 7168 : i32
          %dma_start3A_264 = tpu.memref_slice %arg13[%dma_start3A_263] : memref<10752xi32, #tpu.memory_space<vmem>> -> memref<1792xi32, #tpu.memory_space<vmem>>
          %dma_start3A_265 = tpu.memref_slice %arg8[%select_n3A, %mul3A_230] : memref<64x50176xi32, #tpu.memory_space<hbm>> -> memref<1x1792xi32, #tpu.memory_space<hbm>>
          %dma_start3A_266 = tpu.memref_squeeze %dma_start3A_265 : memref<1x1792xi32, #tpu.memory_space<hbm>> -> memref<1792xi32, #tpu.memory_space<hbm>>
          %dma_start3A_267 = arith.constant 7168 : i32
          %dma_start3A_268 = tpu.memref_slice %arg13[%dma_start3A_267] : memref<10752xi32, #tpu.memory_space<vmem>> -> memref<1792xi32, #tpu.memory_space<vmem>>
          %dma_start3A_269 = tpu.memref_slice %arg8[%select_n3A, %mul3A_230] : memref<64x50176xi32, #tpu.memory_space<hbm>> -> memref<1x1792xi32, #tpu.memory_space<hbm>>
          %dma_start3A_270 = tpu.memref_squeeze %dma_start3A_269 : memref<1x1792xi32, #tpu.memory_space<hbm>> -> memref<1792xi32, #tpu.memory_space<hbm>>
          tpu.enqueue_dma source(%dma_start3A_270 : memref<1792xi32, #tpu.memory_space<hbm>>) target(%dma_start3A_268 : memref<1792xi32, #tpu.memory_space<vmem>>) target_semaphore(%arg18 : memref<!tpu.dma_semaphore, #tpu.memory_space<semaphore_mem>>)
          %dma_start3A_271 = arith.constant 8960 : i32
          %dma_start3A_272 = tpu.memref_slice %arg13[%dma_start3A_271] : memref<10752xi32, #tpu.memory_space<vmem>> -> memref<1792xi32, #tpu.memory_space<vmem>>
          %dma_start3A_273 = tpu.memref_slice %arg9[%select_n3A, %mul3A_230] : memref<64x50176xi32, #tpu.memory_space<hbm>> -> memref<1x1792xi32, #tpu.memory_space<hbm>>
          %dma_start3A_274 = tpu.memref_squeeze %dma_start3A_273 : memref<1x1792xi32, #tpu.memory_space<hbm>> -> memref<1792xi32, #tpu.memory_space<hbm>>
          %dma_start3A_275 = arith.constant 8960 : i32
          %dma_start3A_276 = tpu.memref_slice %arg13[%dma_start3A_275] : memref<10752xi32, #tpu.memory_space<vmem>> -> memref<1792xi32, #tpu.memory_space<vmem>>
          %dma_start3A_277 = tpu.memref_slice %arg9[%select_n3A, %mul3A_230] : memref<64x50176xi32, #tpu.memory_space<hbm>> -> memref<1x1792xi32, #tpu.memory_space<hbm>>
          %dma_start3A_278 = tpu.memref_squeeze %dma_start3A_277 : memref<1x1792xi32, #tpu.memory_space<hbm>> -> memref<1792xi32, #tpu.memory_space<hbm>>
          tpu.enqueue_dma source(%dma_start3A_278 : memref<1792xi32, #tpu.memory_space<hbm>>) target(%dma_start3A_276 : memref<1792xi32, #tpu.memory_space<vmem>>) target_semaphore(%arg18 : memref<!tpu.dma_semaphore, #tpu.memory_space<semaphore_mem>>)
        } else {
        }
        %dma_wait3A_207 = arith.constant 0 : i32
        %dma_wait3A_208 = tpu.memref_slice %arg4[%select_n3A, %dma_wait3A_207] : memref<64x50176xi32, #tpu.memory_space<hbm>> -> memref<1x10752xi32, #tpu.memory_space<hbm>>
        %dma_wait3A_209 = tpu.memref_squeeze %dma_wait3A_208 : memref<1x10752xi32, #tpu.memory_space<hbm>> -> memref<10752xi32, #tpu.memory_space<hbm>>
        %dma_wait3A_210 = arith.constant 0 : i32
        %dma_wait3A_211 = tpu.memref_slice %arg4[%select_n3A, %dma_wait3A_210] : memref<64x50176xi32, #tpu.memory_space<hbm>> -> memref<1x10752xi32, #tpu.memory_space<hbm>>
        %dma_wait3A_212 = tpu.memref_squeeze %dma_wait3A_211 : memref<1x10752xi32, #tpu.memory_space<hbm>> -> memref<10752xi32, #tpu.memory_space<hbm>>
        tpu.wait_dma2 semaphore(%arg19 : memref<!tpu.dma_semaphore, #tpu.memory_space<semaphore_mem>>) src(%dma_wait3A_212 : memref<10752xi32, #tpu.memory_space<hbm>>) dst(%arg14 : memref<10752xi32, #tpu.memory_space<vmem>>)
        %ge3A_213 = arith.constant 1 : i32
        %ge3A_214 = arith.cmpi sge, %scan3A_126, %ge3A_213 : i32
        %convert_element_type3A_215 = arith.extui %ge3A_214 : i1 to i32
        %cond3A_216 = arith.constant 0 : i32
        %cond3A_217 = arith.cmpi ne, %convert_element_type3A_215, %cond3A_216 : i32
        scf.if %cond3A_217 {
          %dma_wait3A_227 = arith.constant 0 : i32
          %dma_wait3A_228 = tpu.memref_slice %arg10[%add3A_9, %dma_wait3A_227] : memref<192x50176xf32, #tpu.memory_space<hbm>> -> memref<1x1792xf32, #tpu.memory_space<hbm>>
          %dma_wait3A_229 = tpu.memref_squeeze %dma_wait3A_228 : memref<1x1792xf32, #tpu.memory_space<hbm>> -> memref<1792xf32, #tpu.memory_space<hbm>>
          %dma_wait3A_230 = arith.constant 0 : i32
          %dma_wait3A_231 = tpu.memref_slice %arg10[%add3A_9, %dma_wait3A_230] : memref<192x50176xf32, #tpu.memory_space<hbm>> -> memref<1x1792xf32, #tpu.memory_space<hbm>>
          %dma_wait3A_232 = tpu.memref_squeeze %dma_wait3A_231 : memref<1x1792xf32, #tpu.memory_space<hbm>> -> memref<1792xf32, #tpu.memory_space<hbm>>
          tpu.wait_dma2 semaphore(%arg21 : memref<!tpu.dma_semaphore, #tpu.memory_space<semaphore_mem>>) src(%arg16 : memref<1792xf32, #tpu.memory_space<vmem>>) dst(%dma_wait3A_232 : memref<1792xf32, #tpu.memory_space<hbm>>)
        } else {
        }
        %mul3A_218 = arith.constant 1792 : i32
        %mul3A_219 = arith.muli %add3A_202, %mul3A_218 : i32
        %parallel_loop3A_220 = arith.constant 0 : i32
        %parallel_loop3A_221 = arith.constant 1792 : i32
        %parallel_loop3A_222 = arith.constant 16 : i32
        scf.for %parallel_loop3A_227 = %parallel_loop3A_220 to %parallel_loop3A_221 step %parallel_loop3A_222  : i32 {
          %parallel_loop3A_228 = arith.index_cast %parallel_loop3A_227 : i32 to index
          %parallel_loop3A_229 = tpu.vector_load %arg14[%parallel_loop3A_228] {strides = array<i32>} : memref<10752xi32, #tpu.memory_space<vmem>>, vector<16xi32>,
          %parallel_loop3A_230 = arith.constant 1792 : i32
          %parallel_loop3A_231 = arith.addi %parallel_loop3A_230, %parallel_loop3A_227 : i32
          %parallel_loop3A_232 = arith.index_cast %parallel_loop3A_231 : i32 to index
          %parallel_loop3A_233 = tpu.vector_load %arg14[%parallel_loop3A_232] {strides = array<i32>} : memref<10752xi32, #tpu.memory_space<vmem>>, vector<16xi32>,
          %parallel_loop3A_234 = arith.constant 3584 : i32
          %parallel_loop3A_235 = arith.addi %parallel_loop3A_234, %parallel_loop3A_227 : i32
          %parallel_loop3A_236 = arith.index_cast %parallel_loop3A_235 : i32 to index
          %parallel_loop3A_237 = tpu.vector_load %arg14[%parallel_loop3A_236] {strides = array<i32>} : memref<10752xi32, #tpu.memory_space<vmem>>, vector<16xi32>,
          %parallel_loop3A_238 = arith.constant 65535 : i32
          %parallel_loop3A_239 = vector.broadcast %parallel_loop3A_238 : i32 to vector<16xi32>
          %parallel_loop3A_240 = arith.andi %parallel_loop3A_229, %parallel_loop3A_239 : vector<16xi32>
          %parallel_loop3A_241 = arith.constant 16 : i32
          %parallel_loop3A_242 = vector.broadcast %parallel_loop3A_241 : i32 to vector<16xi32>
          %parallel_loop3A_243 = arith.shrsi %parallel_loop3A_229, %parallel_loop3A_242 : vector<16xi32>
          %parallel_loop3A_244 = arith.constant 1 : i32
          %parallel_loop3A_245 = vector.broadcast %parallel_loop3A_244 : i32 to vector<16xi32>
          %parallel_loop3A_246 = arith.andi %parallel_loop3A_243, %parallel_loop3A_245 : vector<16xi32>
          %parallel_loop3A_247 = arith.constant 24 : i32
          %parallel_loop3A_248 = vector.broadcast %parallel_loop3A_247 : i32 to vector<16xi32>
          %parallel_loop3A_249 = arith.shrui %parallel_loop3A_229, %parallel_loop3A_248 : vector<16xi32>
          %parallel_loop3A_250 = arith.addi %parallel_loop3A_240, %parallel_loop3A_249 : vector<16xi32>
          %parallel_loop3A_251 = arith.addi %parallel_loop3A_240, %parallel_loop3A_246 : vector<16xi32>
          %parallel_loop3A_252 = arith.addi %parallel_loop3A_250, %parallel_loop3A_246 : vector<16xi32>
          %parallel_loop3A_253 = arith.constant 16 : i32
          %parallel_loop3A_254 = vector.broadcast %parallel_loop3A_253 : i32 to vector<16xi32>
          %parallel_loop3A_255 = arith.shli %parallel_loop3A_233, %parallel_loop3A_254 : vector<16xi32>
          %parallel_loop3A_256 = vector.bitcast %parallel_loop3A_255 : vector<16xi32> to vector<16xf32>
          %parallel_loop3A_257 = vector.bitcast %parallel_loop3A_233 : vector<16xi32> to vector<16xf32>
          %parallel_loop3A_258 = arith.constant 16 : i32
          %parallel_loop3A_259 = vector.broadcast %parallel_loop3A_258 : i32 to vector<16xi32>
          %parallel_loop3A_260 = arith.shli %parallel_loop3A_237, %parallel_loop3A_259 : vector<16xi32>
          %parallel_loop3A_261 = vector.bitcast %parallel_loop3A_260 : vector<16xi32> to vector<16xf32>
          %parallel_loop3A_262 = vector.bitcast %parallel_loop3A_237 : vector<16xi32> to vector<16xf32>
          %parallel_loop3A_263 = tpu.vector_load_idx %arg11[%parallel_loop3A_240] : memref<50176xf32, #tpu.memory_space<vmem>>[vector<16xi32>], vector<16xf32>,
          %parallel_loop3A_264 = tpu.vector_load_idx %arg11[%parallel_loop3A_250] : memref<50176xf32, #tpu.memory_space<vmem>>[vector<16xi32>], vector<16xf32>,
          %parallel_loop3A_265 = tpu.vector_load_idx %arg11[%parallel_loop3A_251] : memref<50176xf32, #tpu.memory_space<vmem>>[vector<16xi32>], vector<16xf32>,
          %parallel_loop3A_266 = tpu.vector_load_idx %arg11[%parallel_loop3A_252] : memref<50176xf32, #tpu.memory_space<vmem>>[vector<16xi32>], vector<16xf32>,
          %parallel_loop3A_267 = arith.mulf %parallel_loop3A_256, %parallel_loop3A_263 : vector<16xf32>
          %parallel_loop3A_268 = arith.mulf %parallel_loop3A_257, %parallel_loop3A_264 : vector<16xf32>
          %parallel_loop3A_269 = arith.addf %parallel_loop3A_267, %parallel_loop3A_268 : vector<16xf32>
          %parallel_loop3A_270 = arith.mulf %parallel_loop3A_261, %parallel_loop3A_269 : vector<16xf32>
          %parallel_loop3A_271 = arith.mulf %parallel_loop3A_256, %parallel_loop3A_265 : vector<16xf32>
          %parallel_loop3A_272 = arith.mulf %parallel_loop3A_257, %parallel_loop3A_266 : vector<16xf32>
          %parallel_loop3A_273 = arith.addf %parallel_loop3A_271, %parallel_loop3A_272 : vector<16xf32>
          %parallel_loop3A_274 = arith.mulf %parallel_loop3A_262, %parallel_loop3A_273 : vector<16xf32>
          %parallel_loop3A_275 = arith.addf %parallel_loop3A_270, %parallel_loop3A_274 : vector<16xf32>
          %parallel_loop3A_276 = arith.constant 5376 : i32
          %parallel_loop3A_277 = arith.addi %parallel_loop3A_276, %parallel_loop3A_227 : i32
          %parallel_loop3A_278 = arith.index_cast %parallel_loop3A_277 : i32 to index
          %parallel_loop3A_279 = tpu.vector_load %arg14[%parallel_loop3A_278] {strides = array<i32>} : memref<10752xi32, #tpu.memory_space<vmem>>, vector<16xi32>,
          %parallel_loop3A_280 = arith.constant 7168 : i32
          %parallel_loop3A_281 = arith.addi %parallel_loop3A_280, %parallel_loop3A_227 : i32
          %parallel_loop3A_282 = arith.index_cast %parallel_loop3A_281 : i32 to index
          %parallel_loop3A_283 = tpu.vector_load %arg14[%parallel_loop3A_282] {strides = array<i32>} : memref<10752xi32, #tpu.memory_space<vmem>>, vector<16xi32>,
          %parallel_loop3A_284 = arith.constant 8960 : i32
          %parallel_loop3A_285 = arith.addi %parallel_loop3A_284, %parallel_loop3A_227 : i32
          %parallel_loop3A_286 = arith.index_cast %parallel_loop3A_285 : i32 to index
          %parallel_loop3A_287 = tpu.vector_load %arg14[%parallel_loop3A_286] {strides = array<i32>} : memref<10752xi32, #tpu.memory_space<vmem>>, vector<16xi32>,
          %parallel_loop3A_288 = arith.constant 65535 : i32
          %parallel_loop3A_289 = vector.broadcast %parallel_loop3A_288 : i32 to vector<16xi32>
          %parallel_loop3A_290 = arith.andi %parallel_loop3A_279, %parallel_loop3A_289 : vector<16xi32>
          %parallel_loop3A_291 = arith.constant 16 : i32
          %parallel_loop3A_292 = vector.broadcast %parallel_loop3A_291 : i32 to vector<16xi32>
          %parallel_loop3A_293 = arith.shrsi %parallel_loop3A_279, %parallel_loop3A_292 : vector<16xi32>
          %parallel_loop3A_294 = arith.constant 1 : i32
          %parallel_loop3A_295 = vector.broadcast %parallel_loop3A_294 : i32 to vector<16xi32>
          %parallel_loop3A_296 = arith.andi %parallel_loop3A_293, %parallel_loop3A_295 : vector<16xi32>
          %parallel_loop3A_297 = arith.constant 24 : i32
          %parallel_loop3A_298 = vector.broadcast %parallel_loop3A_297 : i32 to vector<16xi32>
          %parallel_loop3A_299 = arith.shrui %parallel_loop3A_279, %parallel_loop3A_298 : vector<16xi32>
          %parallel_loop3A_300 = arith.addi %parallel_loop3A_290, %parallel_loop3A_299 : vector<16xi32>
          %parallel_loop3A_301 = arith.addi %parallel_loop3A_290, %parallel_loop3A_296 : vector<16xi32>
          %parallel_loop3A_302 = arith.addi %parallel_loop3A_300, %parallel_loop3A_296 : vector<16xi32>
          %parallel_loop3A_303 = arith.constant 16 : i32
          %parallel_loop3A_304 = vector.broadcast %parallel_loop3A_303 : i32 to vector<16xi32>
          %parallel_loop3A_305 = arith.shli %parallel_loop3A_283, %parallel_loop3A_304 : vector<16xi32>
          %parallel_loop3A_306 = vector.bitcast %parallel_loop3A_305 : vector<16xi32> to vector<16xf32>
          %parallel_loop3A_307 = vector.bitcast %parallel_loop3A_283 : vector<16xi32> to vector<16xf32>
          %parallel_loop3A_308 = arith.constant 16 : i32
          %parallel_loop3A_309 = vector.broadcast %parallel_loop3A_308 : i32 to vector<16xi32>
          %parallel_loop3A_310 = arith.shli %parallel_loop3A_287, %parallel_loop3A_309 : vector<16xi32>
          %parallel_loop3A_311 = vector.bitcast %parallel_loop3A_310 : vector<16xi32> to vector<16xf32>
          %parallel_loop3A_312 = vector.bitcast %parallel_loop3A_287 : vector<16xi32> to vector<16xf32>
          %parallel_loop3A_313 = tpu.vector_load_idx %arg12[%parallel_loop3A_290] : memref<50176xf32, #tpu.memory_space<vmem>>[vector<16xi32>], vector<16xf32>,
          %parallel_loop3A_314 = tpu.vector_load_idx %arg12[%parallel_loop3A_300] : memref<50176xf32, #tpu.memory_space<vmem>>[vector<16xi32>], vector<16xf32>,
          %parallel_loop3A_315 = tpu.vector_load_idx %arg12[%parallel_loop3A_301] : memref<50176xf32, #tpu.memory_space<vmem>>[vector<16xi32>], vector<16xf32>,
          %parallel_loop3A_316 = tpu.vector_load_idx %arg12[%parallel_loop3A_302] : memref<50176xf32, #tpu.memory_space<vmem>>[vector<16xi32>], vector<16xf32>,
          %parallel_loop3A_317 = arith.mulf %parallel_loop3A_306, %parallel_loop3A_313 : vector<16xf32>
          %parallel_loop3A_318 = arith.mulf %parallel_loop3A_307, %parallel_loop3A_314 : vector<16xf32>
          %parallel_loop3A_319 = arith.addf %parallel_loop3A_317, %parallel_loop3A_318 : vector<16xf32>
          %parallel_loop3A_320 = arith.mulf %parallel_loop3A_311, %parallel_loop3A_319 : vector<16xf32>
          %parallel_loop3A_321 = arith.mulf %parallel_loop3A_306, %parallel_loop3A_315 : vector<16xf32>
          %parallel_loop3A_322 = arith.mulf %parallel_loop3A_307, %parallel_loop3A_316 : vector<16xf32>
          %parallel_loop3A_323 = arith.addf %parallel_loop3A_321, %parallel_loop3A_322 : vector<16xf32>
          %parallel_loop3A_324 = arith.mulf %parallel_loop3A_312, %parallel_loop3A_323 : vector<16xf32>
          %parallel_loop3A_325 = arith.addf %parallel_loop3A_320, %parallel_loop3A_324 : vector<16xf32>
          %parallel_loop3A_326 = arith.addf %parallel_loop3A_275, %parallel_loop3A_325 : vector<16xf32>
          %parallel_loop3A_327 = arith.index_cast %parallel_loop3A_227 : i32 to index
          %parallel_loop3A_328 = tpu.vector_load %arg16[%parallel_loop3A_327] {strides = array<i32>} : memref<1792xf32, #tpu.memory_space<vmem>>, vector<16xf32>,
          tpu.vector_store %arg16[%parallel_loop3A_327], %parallel_loop3A_326 {strides = array<i32>} : memref<1792xf32, #tpu.memory_space<vmem>>, vector<16xf32>,
        } {sc.loop_unroll_factor = 3 : i64, sc.parallel_access}
        %dma_start3A_223 = tpu.memref_slice %arg10[%add3A_9, %mul3A_219] : memref<192x50176xf32, #tpu.memory_space<hbm>> -> memref<1x1792xf32, #tpu.memory_space<hbm>>
        %dma_start3A_224 = tpu.memref_squeeze %dma_start3A_223 : memref<1x1792xf32, #tpu.memory_space<hbm>> -> memref<1792xf32, #tpu.memory_space<hbm>>
        %dma_start3A_225 = tpu.memref_slice %arg10[%add3A_9, %mul3A_219] : memref<192x50176xf32, #tpu.memory_space<hbm>> -> memref<1x1792xf32, #tpu.memory_space<hbm>>
        %dma_start3A_226 = tpu.memref_squeeze %dma_start3A_225 : memref<1x1792xf32, #tpu.memory_space<hbm>> -> memref<1792xf32, #tpu.memory_space<hbm>>
        tpu.enqueue_dma source(%arg16 : memref<1792xf32, #tpu.memory_space<vmem>>) target(%dma_start3A_226 : memref<1792xf32, #tpu.memory_space<hbm>>) target_semaphore(%arg21 : memref<!tpu.dma_semaphore, #tpu.memory_space<semaphore_mem>>)
      }
      %scan3A_113 = arith.constant 14 : i32
      %dma_wait3A_114 = arith.constant 0 : i32
      %dma_wait3A_115 = tpu.memref_slice %arg10[%add3A_9, %dma_wait3A_114] : memref<192x50176xf32, #tpu.memory_space<hbm>> -> memref<1x1792xf32, #tpu.memory_space<hbm>>
      %dma_wait3A_116 = tpu.memref_squeeze %dma_wait3A_115 : memref<1x1792xf32, #tpu.memory_space<hbm>> -> memref<1792xf32, #tpu.memory_space<hbm>>
      %dma_wait3A_117 = arith.constant 0 : i32
      %dma_wait3A_118 = tpu.memref_slice %arg10[%add3A_9, %dma_wait3A_117] : memref<192x50176xf32, #tpu.memory_space<hbm>> -> memref<1x1792xf32, #tpu.memory_space<hbm>>
      %dma_wait3A_119 = tpu.memref_squeeze %dma_wait3A_118 : memref<1x1792xf32, #tpu.memory_space<hbm>> -> memref<1792xf32, #tpu.memory_space<hbm>>
      tpu.wait_dma2 semaphore(%arg20 : memref<!tpu.dma_semaphore, #tpu.memory_space<semaphore_mem>>) src(%arg15 : memref<1792xf32, #tpu.memory_space<vmem>>) dst(%dma_wait3A_119 : memref<1792xf32, #tpu.memory_space<hbm>>)
      %dma_wait3A_120 = arith.constant 0 : i32
      %dma_wait3A_121 = tpu.memref_slice %arg10[%add3A_9, %dma_wait3A_120] : memref<192x50176xf32, #tpu.memory_space<hbm>> -> memref<1x1792xf32, #tpu.memory_space<hbm>>
      %dma_wait3A_122 = tpu.memref_squeeze %dma_wait3A_121 : memref<1x1792xf32, #tpu.memory_space<hbm>> -> memref<1792xf32, #tpu.memory_space<hbm>>
      %dma_wait3A_123 = arith.constant 0 : i32
      %dma_wait3A_124 = tpu.memref_slice %arg10[%add3A_9, %dma_wait3A_123] : memref<192x50176xf32, #tpu.memory_space<hbm>> -> memref<1x1792xf32, #tpu.memory_space<hbm>>
      %dma_wait3A_125 = tpu.memref_squeeze %dma_wait3A_124 : memref<1x1792xf32, #tpu.memory_space<hbm>> -> memref<1792xf32, #tpu.memory_space<hbm>>
      tpu.wait_dma2 semaphore(%arg21 : memref<!tpu.dma_semaphore, #tpu.memory_space<semaphore_mem>>) src(%arg16 : memref<1792xf32, #tpu.memory_space<vmem>>) dst(%dma_wait3A_125 : memref<1792xf32, #tpu.memory_space<hbm>>)
    }
    %scan3A_5 = arith.constant 6 : i32
    return
  }
}

module attributes {stable_mosaic.version = 14 : i64} {
  func.func @_prep_body(%arg0: i32, %arg1: i32, %arg2: memref<7168xf32, #tpu.memory_space<vmem>>, %arg3: memref<7168xf32, #tpu.memory_space<vmem>>, %arg4: memref<8x7168xf32, #tpu.memory_space<vmem>>, %arg5: memref<8x7168xf32, #tpu.memory_space<vmem>>, %arg6: memref<8x7168xf32, #tpu.memory_space<vmem>>, %arg7: memref<8x7168xf32, #tpu.memory_space<vmem>>, %arg8: memref<8x7168xi32, #tpu.memory_space<vmem>>, %arg9: memref<8x7168xi32, #tpu.memory_space<vmem>>, %arg10: memref<8x7168xi32, #tpu.memory_space<vmem>>, %arg11: memref<8x7168xi32, #tpu.memory_space<vmem>>, %arg12: memref<8x7168xi32, #tpu.memory_space<vmem>>, %arg13: memref<8x7168xi32, #tpu.memory_space<vmem>>) attributes {dimension_semantics = [#tpu.dimension_semantics<arbitrary>, #tpu.dimension_semantics<arbitrary>], iteration_bounds = array<i64: 8, 7>, scalar_prefetch = 0 : i64, scratch_operands = 0 : i64, tpu.core_type = #tpu.core_type<tc>, window_params = [{transform_indices = @transform_0, window_bounds = array<i64: 7168>}, {transform_indices = @transform_1, window_bounds = array<i64: 7168>}, {transform_indices = @transform_2, window_bounds = array<i64: 8, 7168>}, {transform_indices = @transform_3, window_bounds = array<i64: 8, 7168>}, {transform_indices = @transform_4, window_bounds = array<i64: 8, 7168>}, {transform_indices = @transform_5, window_bounds = array<i64: 8, 7168>}, {transform_indices = @transform_6, window_bounds = array<i64: 8, 7168>}, {transform_indices = @transform_7, window_bounds = array<i64: 8, 7168>}, {transform_indices = @transform_8, window_bounds = array<i64: 8, 7168>}, {transform_indices = @transform_9, window_bounds = array<i64: 8, 7168>}, {transform_indices = @transform_10, window_bounds = array<i64: 8, 7168>}, {transform_indices = @transform_11, window_bounds = array<i64: 8, 7168>}]} {
    %get3A = arith.constant 0 : index
    %get3A_0 = vector.load %arg2[%get3A] : memref<7168xf32, #tpu.memory_space<vmem>>, vector<7168xf32>
    %broadcast_in_dim3A = vector.shape_cast %get3A_0 : vector<7168xf32> to vector<1x7168xf32>
    %get3A_1 = arith.constant 0 : index
    %get3A_2 = vector.load %arg3[%get3A_1] : memref<7168xf32, #tpu.memory_space<vmem>>, vector<7168xf32>
    %broadcast_in_dim3A_3 = vector.shape_cast %get3A_2 : vector<7168xf32> to vector<1x7168xf32>
    %get3A_4 = arith.constant 0 : index
    %get3A_5 = arith.constant 0 : index
    %get3A_6 = vector.load %arg4[%get3A_4, %get3A_5] : memref<8x7168xf32, #tpu.memory_space<vmem>>, vector<8x7168xf32>
    %get3A_7 = arith.constant 0 : index
    %get3A_8 = arith.constant 0 : index
    %get3A_9 = vector.load %arg5[%get3A_7, %get3A_8] : memref<8x7168xf32, #tpu.memory_space<vmem>>, vector<8x7168xf32>
    %add3A = vector.broadcast %broadcast_in_dim3A : vector<1x7168xf32> to vector<8x7168xf32>
    %add3A_10 = arith.addf %add3A, %get3A_6 : vector<8x7168xf32>
    %add3A_11 = vector.broadcast %broadcast_in_dim3A_3 : vector<1x7168xf32> to vector<8x7168xf32>
    %add3A_12 = arith.addf %add3A_11, %get3A_9 : vector<8x7168xf32>
    %get3A_13 = arith.constant 0 : index
    %get3A_14 = arith.constant 0 : index
    %get3A_15 = vector.load %arg6[%get3A_13, %get3A_14] : memref<8x7168xf32, #tpu.memory_space<vmem>>, vector<8x7168xf32>
    %jit3A = arith.constant 1.000000e-03 : f32
    %jit3A_16 = arith.constant 2.229990e+02 : f32
    %max3A = vector.broadcast %jit3A : f32 to vector<8x7168xf32>
    %max3A_17 = arith.maximumf %max3A, %add3A_10 : vector<8x7168xf32>
    %min3A = vector.broadcast %jit3A_16 : f32 to vector<8x7168xf32>
    %min3A_18 = arith.minimumf %min3A, %max3A_17 : vector<8x7168xf32>
    %jit3A_19 = arith.constant 1.000000e-03 : f32
    %jit3A_20 = arith.constant 2.229990e+02 : f32
    %max3A_21 = vector.broadcast %jit3A_19 : f32 to vector<8x7168xf32>
    %max3A_22 = arith.maximumf %max3A_21, %add3A_12 : vector<8x7168xf32>
    %min3A_23 = vector.broadcast %jit3A_20 : f32 to vector<8x7168xf32>
    %min3A_24 = arith.minimumf %min3A_23, %max3A_22 : vector<8x7168xf32>
    %convert_element_type3A = arith.fptosi %min3A_18 : vector<8x7168xf32> to vector<8x7168xi32>
    %convert_element_type3A_25 = arith.sitofp %convert_element_type3A : vector<8x7168xi32> to vector<8x7168xf32>
    %sub3A = arith.subf %min3A_18, %convert_element_type3A_25 : vector<8x7168xf32>
    %sub3A_26 = arith.constant 1.000000e+00 : f32
    %sub3A_27 = vector.broadcast %sub3A_26 : f32 to vector<8x7168xf32>
    %sub3A_28 = arith.subf %sub3A_27, %sub3A : vector<8x7168xf32>
    %ne3A = arith.constant 0.000000e+00 : f32
    %ne3A_29 = vector.broadcast %ne3A : f32 to vector<8x7168xf32>
    %ne3A_30 = arith.cmpf one, %sub3A, %ne3A_29 : vector<8x7168xf32>
    %jit3A_31 = arith.constant 1.000000e+00 : f32
    %broadcast_in_dim3A_32 = vector.broadcast %jit3A_31 : f32 to vector<8x7168xf32>
    %select_n3A = arith.select %ne3A_30, %sub3A, %broadcast_in_dim3A_32 : vector<8x7168xi1>, vector<8x7168xf32>
    %convert_element_type3A_33 = arith.fptosi %min3A_24 : vector<8x7168xf32> to vector<8x7168xi32>
    %convert_element_type3A_34 = arith.sitofp %convert_element_type3A_33 : vector<8x7168xi32> to vector<8x7168xf32>
    %sub3A_35 = arith.subf %min3A_24, %convert_element_type3A_34 : vector<8x7168xf32>
    %sub3A_36 = arith.constant 1.000000e+00 : f32
    %sub3A_37 = vector.broadcast %sub3A_36 : f32 to vector<8x7168xf32>
    %sub3A_38 = arith.subf %sub3A_37, %sub3A_35 : vector<8x7168xf32>
    %ne3A_39 = arith.constant 0.000000e+00 : f32
    %ne3A_40 = vector.broadcast %ne3A_39 : f32 to vector<8x7168xf32>
    %ne3A_41 = arith.cmpf one, %sub3A_35, %ne3A_40 : vector<8x7168xf32>
    %jit3A_42 = arith.constant 1.000000e+00 : f32
    %broadcast_in_dim3A_43 = vector.broadcast %jit3A_42 : f32 to vector<8x7168xf32>
    %select_n3A_44 = arith.select %ne3A_41, %sub3A_35, %broadcast_in_dim3A_43 : vector<8x7168xi1>, vector<8x7168xf32>
    %mul3A = arith.constant 224 : i32
    %mul3A_45 = vector.broadcast %mul3A : i32 to vector<8x7168xi32>
    %mul3A_46 = arith.muli %mul3A_45, %convert_element_type3A : vector<8x7168xi32>
    %add3A_47 = arith.addi %convert_element_type3A_33, %mul3A_46 : vector<8x7168xi32>
    %jit3A_48 = arith.constant 65536 : i32
    %jit3A_49 = arith.constant 0 : i32
    %broadcast_in_dim3A_50 = vector.broadcast %jit3A_48 : i32 to vector<8x7168xi32>
    %broadcast_in_dim3A_51 = vector.broadcast %jit3A_49 : i32 to vector<8x7168xi32>
    %select_n3A_52 = arith.select %ne3A_41, %broadcast_in_dim3A_50, %broadcast_in_dim3A_51 : vector<8x7168xi1>, vector<8x7168xi32>
    %or3A = arith.ori %add3A_47, %select_n3A_52 : vector<8x7168xi32>
    %jit3A_53 = arith.constant -536870912 : i32
    %jit3A_54 = arith.constant 0 : i32
    %broadcast_in_dim3A_55 = vector.broadcast %jit3A_53 : i32 to vector<8x7168xi32>
    %broadcast_in_dim3A_56 = vector.broadcast %jit3A_54 : i32 to vector<8x7168xi32>
    %select_n3A_57 = arith.select %ne3A_30, %broadcast_in_dim3A_55, %broadcast_in_dim3A_56 : vector<8x7168xi1>, vector<8x7168xi32>
    %or3A_58 = arith.ori %or3A, %select_n3A_57 : vector<8x7168xi32>
    %mul3A_59 = arith.mulf %sub3A_28, %get3A_15 : vector<8x7168xf32>
    %mul3A_60 = arith.mulf %select_n3A, %get3A_15 : vector<8x7168xf32>
    %bitcast_convert_type3A = tpu.bitcast %mul3A_59 : vector<8x7168xf32> -> vector<8x7168xi32>
    %bitcast_convert_type3A_61 = tpu.bitcast %mul3A_60 : vector<8x7168xf32> -> vector<8x7168xi32>
    %add3A_62 = arith.constant 32767 : i32
    %add3A_63 = vector.broadcast %add3A_62 : i32 to vector<8x7168xi32>
    %add3A_64 = arith.addi %bitcast_convert_type3A, %add3A_63 : vector<8x7168xi32>
    %shift_right_logical3A = arith.constant 16 : i32
    %shift_right_logical3A_65 = vector.broadcast %shift_right_logical3A : i32 to vector<8x7168xi32>
    %shift_right_logical3A_66 = arith.shrui %bitcast_convert_type3A, %shift_right_logical3A_65 : vector<8x7168xi32>
    %and3A = arith.constant 1 : i32
    %and3A_67 = vector.broadcast %and3A : i32 to vector<8x7168xi32>
    %and3A_68 = arith.andi %shift_right_logical3A_66, %and3A_67 : vector<8x7168xi32>
    %add3A_69 = arith.addi %add3A_64, %and3A_68 : vector<8x7168xi32>
    %shift_right_logical3A_70 = arith.constant 16 : i32
    %shift_right_logical3A_71 = vector.broadcast %shift_right_logical3A_70 : i32 to vector<8x7168xi32>
    %shift_right_logical3A_72 = arith.shrui %add3A_69, %shift_right_logical3A_71 : vector<8x7168xi32>
    %add3A_73 = arith.constant 32767 : i32
    %add3A_74 = vector.broadcast %add3A_73 : i32 to vector<8x7168xi32>
    %add3A_75 = arith.addi %bitcast_convert_type3A_61, %add3A_74 : vector<8x7168xi32>
    %shift_right_logical3A_76 = arith.constant 16 : i32
    %shift_right_logical3A_77 = vector.broadcast %shift_right_logical3A_76 : i32 to vector<8x7168xi32>
    %shift_right_logical3A_78 = arith.shrui %bitcast_convert_type3A_61, %shift_right_logical3A_77 : vector<8x7168xi32>
    %and3A_79 = arith.constant 1 : i32
    %and3A_80 = vector.broadcast %and3A_79 : i32 to vector<8x7168xi32>
    %and3A_81 = arith.andi %shift_right_logical3A_78, %and3A_80 : vector<8x7168xi32>
    %add3A_82 = arith.addi %add3A_75, %and3A_81 : vector<8x7168xi32>
    %and3A_83 = arith.constant -65536 : i32
    %and3A_84 = vector.broadcast %and3A_83 : i32 to vector<8x7168xi32>
    %and3A_85 = arith.andi %add3A_82, %and3A_84 : vector<8x7168xi32>
    %or3A_86 = arith.ori %shift_right_logical3A_72, %and3A_85 : vector<8x7168xi32>
    %bitcast_convert_type3A_87 = tpu.bitcast %or3A_86 : vector<8x7168xi32> -> vector<8x7168xi32>
    %bitcast_convert_type3A_88 = tpu.bitcast %sub3A_38 : vector<8x7168xf32> -> vector<8x7168xi32>
    %bitcast_convert_type3A_89 = tpu.bitcast %select_n3A_44 : vector<8x7168xf32> -> vector<8x7168xi32>
    %add3A_90 = arith.constant 32767 : i32
    %add3A_91 = vector.broadcast %add3A_90 : i32 to vector<8x7168xi32>
    %add3A_92 = arith.addi %bitcast_convert_type3A_88, %add3A_91 : vector<8x7168xi32>
    %shift_right_logical3A_93 = arith.constant 16 : i32
    %shift_right_logical3A_94 = vector.broadcast %shift_right_logical3A_93 : i32 to vector<8x7168xi32>
    %shift_right_logical3A_95 = arith.shrui %bitcast_convert_type3A_88, %shift_right_logical3A_94 : vector<8x7168xi32>
    %and3A_96 = arith.constant 1 : i32
    %and3A_97 = vector.broadcast %and3A_96 : i32 to vector<8x7168xi32>
    %and3A_98 = arith.andi %shift_right_logical3A_95, %and3A_97 : vector<8x7168xi32>
    %add3A_99 = arith.addi %add3A_92, %and3A_98 : vector<8x7168xi32>
    %shift_right_logical3A_100 = arith.constant 16 : i32
    %shift_right_logical3A_101 = vector.broadcast %shift_right_logical3A_100 : i32 to vector<8x7168xi32>
    %shift_right_logical3A_102 = arith.shrui %add3A_99, %shift_right_logical3A_101 : vector<8x7168xi32>
    %add3A_103 = arith.constant 32767 : i32
    %add3A_104 = vector.broadcast %add3A_103 : i32 to vector<8x7168xi32>
    %add3A_105 = arith.addi %bitcast_convert_type3A_89, %add3A_104 : vector<8x7168xi32>
    %shift_right_logical3A_106 = arith.constant 16 : i32
    %shift_right_logical3A_107 = vector.broadcast %shift_right_logical3A_106 : i32 to vector<8x7168xi32>
    %shift_right_logical3A_108 = arith.shrui %bitcast_convert_type3A_89, %shift_right_logical3A_107 : vector<8x7168xi32>
    %and3A_109 = arith.constant 1 : i32
    %and3A_110 = vector.broadcast %and3A_109 : i32 to vector<8x7168xi32>
    %and3A_111 = arith.andi %shift_right_logical3A_108, %and3A_110 : vector<8x7168xi32>
    %add3A_112 = arith.addi %add3A_105, %and3A_111 : vector<8x7168xi32>
    %and3A_113 = arith.constant -65536 : i32
    %and3A_114 = vector.broadcast %and3A_113 : i32 to vector<8x7168xi32>
    %and3A_115 = arith.andi %add3A_112, %and3A_114 : vector<8x7168xi32>
    %or3A_116 = arith.ori %shift_right_logical3A_102, %and3A_115 : vector<8x7168xi32>
    %bitcast_convert_type3A_117 = tpu.bitcast %or3A_116 : vector<8x7168xi32> -> vector<8x7168xi32>
    %sub3A_118 = vector.broadcast %broadcast_in_dim3A : vector<1x7168xf32> to vector<8x7168xf32>
    %sub3A_119 = arith.subf %sub3A_118, %get3A_6 : vector<8x7168xf32>
    %sub3A_120 = vector.broadcast %broadcast_in_dim3A_3 : vector<1x7168xf32> to vector<8x7168xf32>
    %sub3A_121 = arith.subf %sub3A_120, %get3A_9 : vector<8x7168xf32>
    %get3A_122 = arith.constant 0 : index
    %get3A_123 = arith.constant 0 : index
    %get3A_124 = vector.load %arg7[%get3A_122, %get3A_123] : memref<8x7168xf32, #tpu.memory_space<vmem>>, vector<8x7168xf32>
    %jit3A_125 = arith.constant 1.000000e-03 : f32
    %jit3A_126 = arith.constant 2.229990e+02 : f32
    %max3A_127 = vector.broadcast %jit3A_125 : f32 to vector<8x7168xf32>
    %max3A_128 = arith.maximumf %max3A_127, %sub3A_119 : vector<8x7168xf32>
    %min3A_129 = vector.broadcast %jit3A_126 : f32 to vector<8x7168xf32>
    %min3A_130 = arith.minimumf %min3A_129, %max3A_128 : vector<8x7168xf32>
    %jit3A_131 = arith.constant 1.000000e-03 : f32
    %jit3A_132 = arith.constant 2.229990e+02 : f32
    %max3A_133 = vector.broadcast %jit3A_131 : f32 to vector<8x7168xf32>
    %max3A_134 = arith.maximumf %max3A_133, %sub3A_121 : vector<8x7168xf32>
    %min3A_135 = vector.broadcast %jit3A_132 : f32 to vector<8x7168xf32>
    %min3A_136 = arith.minimumf %min3A_135, %max3A_134 : vector<8x7168xf32>
    %convert_element_type3A_137 = arith.fptosi %min3A_130 : vector<8x7168xf32> to vector<8x7168xi32>
    %convert_element_type3A_138 = arith.sitofp %convert_element_type3A_137 : vector<8x7168xi32> to vector<8x7168xf32>
    %sub3A_139 = arith.subf %min3A_130, %convert_element_type3A_138 : vector<8x7168xf32>
    %sub3A_140 = arith.constant 1.000000e+00 : f32
    %sub3A_141 = vector.broadcast %sub3A_140 : f32 to vector<8x7168xf32>
    %sub3A_142 = arith.subf %sub3A_141, %sub3A_139 : vector<8x7168xf32>
    %ne3A_143 = arith.constant 0.000000e+00 : f32
    %ne3A_144 = vector.broadcast %ne3A_143 : f32 to vector<8x7168xf32>
    %ne3A_145 = arith.cmpf one, %sub3A_139, %ne3A_144 : vector<8x7168xf32>
    %jit3A_146 = arith.constant 1.000000e+00 : f32
    %broadcast_in_dim3A_147 = vector.broadcast %jit3A_146 : f32 to vector<8x7168xf32>
    %select_n3A_148 = arith.select %ne3A_145, %sub3A_139, %broadcast_in_dim3A_147 : vector<8x7168xi1>, vector<8x7168xf32>
    %convert_element_type3A_149 = arith.fptosi %min3A_136 : vector<8x7168xf32> to vector<8x7168xi32>
    %convert_element_type3A_150 = arith.sitofp %convert_element_type3A_149 : vector<8x7168xi32> to vector<8x7168xf32>
    %sub3A_151 = arith.subf %min3A_136, %convert_element_type3A_150 : vector<8x7168xf32>
    %sub3A_152 = arith.constant 1.000000e+00 : f32
    %sub3A_153 = vector.broadcast %sub3A_152 : f32 to vector<8x7168xf32>
    %sub3A_154 = arith.subf %sub3A_153, %sub3A_151 : vector<8x7168xf32>
    %ne3A_155 = arith.constant 0.000000e+00 : f32
    %ne3A_156 = vector.broadcast %ne3A_155 : f32 to vector<8x7168xf32>
    %ne3A_157 = arith.cmpf one, %sub3A_151, %ne3A_156 : vector<8x7168xf32>
    %jit3A_158 = arith.constant 1.000000e+00 : f32
    %broadcast_in_dim3A_159 = vector.broadcast %jit3A_158 : f32 to vector<8x7168xf32>
    %select_n3A_160 = arith.select %ne3A_157, %sub3A_151, %broadcast_in_dim3A_159 : vector<8x7168xi1>, vector<8x7168xf32>
    %mul3A_161 = arith.constant 224 : i32
    %mul3A_162 = vector.broadcast %mul3A_161 : i32 to vector<8x7168xi32>
    %mul3A_163 = arith.muli %mul3A_162, %convert_element_type3A_137 : vector<8x7168xi32>
    %add3A_164 = arith.addi %convert_element_type3A_149, %mul3A_163 : vector<8x7168xi32>
    %jit3A_165 = arith.constant 65536 : i32
    %jit3A_166 = arith.constant 0 : i32
    %broadcast_in_dim3A_167 = vector.broadcast %jit3A_165 : i32 to vector<8x7168xi32>
    %broadcast_in_dim3A_168 = vector.broadcast %jit3A_166 : i32 to vector<8x7168xi32>
    %select_n3A_169 = arith.select %ne3A_157, %broadcast_in_dim3A_167, %broadcast_in_dim3A_168 : vector<8x7168xi1>, vector<8x7168xi32>
    %or3A_170 = arith.ori %add3A_164, %select_n3A_169 : vector<8x7168xi32>
    %jit3A_171 = arith.constant -536870912 : i32
    %jit3A_172 = arith.constant 0 : i32
    %broadcast_in_dim3A_173 = vector.broadcast %jit3A_171 : i32 to vector<8x7168xi32>
    %broadcast_in_dim3A_174 = vector.broadcast %jit3A_172 : i32 to vector<8x7168xi32>
    %select_n3A_175 = arith.select %ne3A_145, %broadcast_in_dim3A_173, %broadcast_in_dim3A_174 : vector<8x7168xi1>, vector<8x7168xi32>
    %or3A_176 = arith.ori %or3A_170, %select_n3A_175 : vector<8x7168xi32>
    %mul3A_177 = arith.mulf %sub3A_142, %get3A_124 : vector<8x7168xf32>
    %mul3A_178 = arith.mulf %select_n3A_148, %get3A_124 : vector<8x7168xf32>
    %bitcast_convert_type3A_179 = tpu.bitcast %mul3A_177 : vector<8x7168xf32> -> vector<8x7168xi32>
    %bitcast_convert_type3A_180 = tpu.bitcast %mul3A_178 : vector<8x7168xf32> -> vector<8x7168xi32>
    %add3A_181 = arith.constant 32767 : i32
    %add3A_182 = vector.broadcast %add3A_181 : i32 to vector<8x7168xi32>
    %add3A_183 = arith.addi %bitcast_convert_type3A_179, %add3A_182 : vector<8x7168xi32>
    %shift_right_logical3A_184 = arith.constant 16 : i32
    %shift_right_logical3A_185 = vector.broadcast %shift_right_logical3A_184 : i32 to vector<8x7168xi32>
    %shift_right_logical3A_186 = arith.shrui %bitcast_convert_type3A_179, %shift_right_logical3A_185 : vector<8x7168xi32>
    %and3A_187 = arith.constant 1 : i32
    %and3A_188 = vector.broadcast %and3A_187 : i32 to vector<8x7168xi32>
    %and3A_189 = arith.andi %shift_right_logical3A_186, %and3A_188 : vector<8x7168xi32>
    %add3A_190 = arith.addi %add3A_183, %and3A_189 : vector<8x7168xi32>
    %shift_right_logical3A_191 = arith.constant 16 : i32
    %shift_right_logical3A_192 = vector.broadcast %shift_right_logical3A_191 : i32 to vector<8x7168xi32>
    %shift_right_logical3A_193 = arith.shrui %add3A_190, %shift_right_logical3A_192 : vector<8x7168xi32>
    %add3A_194 = arith.constant 32767 : i32
    %add3A_195 = vector.broadcast %add3A_194 : i32 to vector<8x7168xi32>
    %add3A_196 = arith.addi %bitcast_convert_type3A_180, %add3A_195 : vector<8x7168xi32>
    %shift_right_logical3A_197 = arith.constant 16 : i32
    %shift_right_logical3A_198 = vector.broadcast %shift_right_logical3A_197 : i32 to vector<8x7168xi32>
    %shift_right_logical3A_199 = arith.shrui %bitcast_convert_type3A_180, %shift_right_logical3A_198 : vector<8x7168xi32>
    %and3A_200 = arith.constant 1 : i32
    %and3A_201 = vector.broadcast %and3A_200 : i32 to vector<8x7168xi32>
    %and3A_202 = arith.andi %shift_right_logical3A_199, %and3A_201 : vector<8x7168xi32>
    %add3A_203 = arith.addi %add3A_196, %and3A_202 : vector<8x7168xi32>
    %and3A_204 = arith.constant -65536 : i32
    %and3A_205 = vector.broadcast %and3A_204 : i32 to vector<8x7168xi32>
    %and3A_206 = arith.andi %add3A_203, %and3A_205 : vector<8x7168xi32>
    %or3A_207 = arith.ori %shift_right_logical3A_193, %and3A_206 : vector<8x7168xi32>
    %bitcast_convert_type3A_208 = tpu.bitcast %or3A_207 : vector<8x7168xi32> -> vector<8x7168xi32>
    %bitcast_convert_type3A_209 = tpu.bitcast %sub3A_154 : vector<8x7168xf32> -> vector<8x7168xi32>
    %bitcast_convert_type3A_210 = tpu.bitcast %select_n3A_160 : vector<8x7168xf32> -> vector<8x7168xi32>
    %add3A_211 = arith.constant 32767 : i32
    %add3A_212 = vector.broadcast %add3A_211 : i32 to vector<8x7168xi32>
    %add3A_213 = arith.addi %bitcast_convert_type3A_209, %add3A_212 : vector<8x7168xi32>
    %shift_right_logical3A_214 = arith.constant 16 : i32
    %shift_right_logical3A_215 = vector.broadcast %shift_right_logical3A_214 : i32 to vector<8x7168xi32>
    %shift_right_logical3A_216 = arith.shrui %bitcast_convert_type3A_209, %shift_right_logical3A_215 : vector<8x7168xi32>
    %and3A_217 = arith.constant 1 : i32
    %and3A_218 = vector.broadcast %and3A_217 : i32 to vector<8x7168xi32>
    %and3A_219 = arith.andi %shift_right_logical3A_216, %and3A_218 : vector<8x7168xi32>
    %add3A_220 = arith.addi %add3A_213, %and3A_219 : vector<8x7168xi32>
    %shift_right_logical3A_221 = arith.constant 16 : i32
    %shift_right_logical3A_222 = vector.broadcast %shift_right_logical3A_221 : i32 to vector<8x7168xi32>
    %shift_right_logical3A_223 = arith.shrui %add3A_220, %shift_right_logical3A_222 : vector<8x7168xi32>
    %add3A_224 = arith.constant 32767 : i32
    %add3A_225 = vector.broadcast %add3A_224 : i32 to vector<8x7168xi32>
    %add3A_226 = arith.addi %bitcast_convert_type3A_210, %add3A_225 : vector<8x7168xi32>
    %shift_right_logical3A_227 = arith.constant 16 : i32
    %shift_right_logical3A_228 = vector.broadcast %shift_right_logical3A_227 : i32 to vector<8x7168xi32>
    %shift_right_logical3A_229 = arith.shrui %bitcast_convert_type3A_210, %shift_right_logical3A_228 : vector<8x7168xi32>
    %and3A_230 = arith.constant 1 : i32
    %and3A_231 = vector.broadcast %and3A_230 : i32 to vector<8x7168xi32>
    %and3A_232 = arith.andi %shift_right_logical3A_229, %and3A_231 : vector<8x7168xi32>
    %add3A_233 = arith.addi %add3A_226, %and3A_232 : vector<8x7168xi32>
    %and3A_234 = arith.constant -65536 : i32
    %and3A_235 = vector.broadcast %and3A_234 : i32 to vector<8x7168xi32>
    %and3A_236 = arith.andi %add3A_233, %and3A_235 : vector<8x7168xi32>
    %or3A_237 = arith.ori %shift_right_logical3A_223, %and3A_236 : vector<8x7168xi32>
    %bitcast_convert_type3A_238 = tpu.bitcast %or3A_237 : vector<8x7168xi32> -> vector<8x7168xi32>
    %swap3A = arith.constant 0 : index
    %swap3A_239 = arith.constant 0 : index
    %swap3A_240 = vector.load %arg8[%swap3A, %swap3A_239] : memref<8x7168xi32, #tpu.memory_space<vmem>>, vector<8x7168xi32>
    tpu.vector_store %arg8[%swap3A, %swap3A_239], %or3A_58 {strides = array<i32>} : memref<8x7168xi32, #tpu.memory_space<vmem>>, vector<8x7168xi32>,
    %swap3A_241 = arith.constant 0 : index
    %swap3A_242 = arith.constant 0 : index
    %swap3A_243 = vector.load %arg9[%swap3A_241, %swap3A_242] : memref<8x7168xi32, #tpu.memory_space<vmem>>, vector<8x7168xi32>
    tpu.vector_store %arg9[%swap3A_241, %swap3A_242], %bitcast_convert_type3A_87 {strides = array<i32>} : memref<8x7168xi32, #tpu.memory_space<vmem>>, vector<8x7168xi32>,
    %swap3A_244 = arith.constant 0 : index
    %swap3A_245 = arith.constant 0 : index
    %swap3A_246 = vector.load %arg10[%swap3A_244, %swap3A_245] : memref<8x7168xi32, #tpu.memory_space<vmem>>, vector<8x7168xi32>
    tpu.vector_store %arg10[%swap3A_244, %swap3A_245], %bitcast_convert_type3A_117 {strides = array<i32>} : memref<8x7168xi32, #tpu.memory_space<vmem>>, vector<8x7168xi32>,
    %swap3A_247 = arith.constant 0 : index
    %swap3A_248 = arith.constant 0 : index
    %swap3A_249 = vector.load %arg11[%swap3A_247, %swap3A_248] : memref<8x7168xi32, #tpu.memory_space<vmem>>, vector<8x7168xi32>
    tpu.vector_store %arg11[%swap3A_247, %swap3A_248], %or3A_176 {strides = array<i32>} : memref<8x7168xi32, #tpu.memory_space<vmem>>, vector<8x7168xi32>,
    %swap3A_250 = arith.constant 0 : index
    %swap3A_251 = arith.constant 0 : index
    %swap3A_252 = vector.load %arg12[%swap3A_250, %swap3A_251] : memref<8x7168xi32, #tpu.memory_space<vmem>>, vector<8x7168xi32>
    tpu.vector_store %arg12[%swap3A_250, %swap3A_251], %bitcast_convert_type3A_208 {strides = array<i32>} : memref<8x7168xi32, #tpu.memory_space<vmem>>, vector<8x7168xi32>,
    %swap3A_253 = arith.constant 0 : index
    %swap3A_254 = arith.constant 0 : index
    %swap3A_255 = vector.load %arg13[%swap3A_253, %swap3A_254] : memref<8x7168xi32, #tpu.memory_space<vmem>>, vector<8x7168xi32>
    tpu.vector_store %arg13[%swap3A_253, %swap3A_254], %bitcast_convert_type3A_238 {strides = array<i32>} : memref<8x7168xi32, #tpu.memory_space<vmem>>, vector<8x7168xi32>,
    return
  }
  func.func @transform_0(%arg0: i32, %arg1: i32) -> i32 {
    %c0_i32 = arith.constant 0 : i32
    return %arg1 : i32
  }
  func.func @transform_1(%arg0: i32, %arg1: i32) -> i32 {
    %c0_i32 = arith.constant 0 : i32
    return %arg1 : i32
  }
  func.func @transform_2(%arg0: i32, %arg1: i32) -> (i32, i32) {
    %c0_i32 = arith.constant 0 : i32
    return %arg0, %arg1 : i32, i32
  }
  func.func @transform_3(%arg0: i32, %arg1: i32) -> (i32, i32) {
    %c0_i32 = arith.constant 0 : i32
    return %arg0, %arg1 : i32, i32
  }
  func.func @transform_4(%arg0: i32, %arg1: i32) -> (i32, i32) {
    %c0_i32 = arith.constant 0 : i32
    return %arg0, %arg1 : i32, i32
  }
  func.func @transform_5(%arg0: i32, %arg1: i32) -> (i32, i32) {
    %c0_i32 = arith.constant 0 : i32
    return %arg0, %arg1 : i32, i32
  }
  func.func @transform_6(%arg0: i32, %arg1: i32) -> (i32, i32) {
    %c0_i32 = arith.constant 0 : i32
    return %arg0, %arg1 : i32, i32
  }
  func.func @transform_7(%arg0: i32, %arg1: i32) -> (i32, i32) {
    %c0_i32 = arith.constant 0 : i32
    return %arg0, %arg1 : i32, i32
  }
  func.func @transform_8(%arg0: i32, %arg1: i32) -> (i32, i32) {
    %c0_i32 = arith.constant 0 : i32
    return %arg0, %arg1 : i32, i32
  }
  func.func @transform_9(%arg0: i32, %arg1: i32) -> (i32, i32) {
    %c0_i32 = arith.constant 0 : i32
    return %arg0, %arg1 : i32, i32
  }
  func.func @transform_10(%arg0: i32, %arg1: i32) -> (i32, i32) {
    %c0_i32 = arith.constant 0 : i32
    return %arg0, %arg1 : i32, i32
  }
  func.func @transform_11(%arg0: i32, %arg1: i32) -> (i32, i32) {
    %c0_i32 = arith.constant 0 : i32
    return %arg0, %arg1 : i32, i32
  }
}

</mosaic_0001>

<sc_bundles>
// kernel: kernel.4.cloned.1.call-start
scs
__scs_entry_jumppad:
0x0: {  	(pc) =	sbr.rel $0x88, $3  }
0x1: {  	(tag) =	ssettag $0x0;
	lr =	simm.s32 $0x1  }
0x2: {  	[smem:$0x3F9C] =	sst lr;
	_ =	strace $0xD0000000  }
0x3: {  	_ = 	snop  }
0x4: {  	_ = 	snop  }
0x5: {  	_ = 	snop  }
0x6: {  	_ = 	snop  }
0x7: {  	_ = 	snop  }
__scs_overlays_trampoline_lowered:
0x8: {  	[smem:$0x3FAB] =	sst s0  }
0x9: {  	[smem:$0x3FAC] =	sst s1  }
0xa: {  	[smem:$0x3FAD] =	sst s2  }
0xb: {  	[smem:$0x3FAE] =	sst s3  }
0xc: {  	[smem:$0x3FAF] =	sst s4  }
0xd: {  	[smem:$0x3FB0] =	sst s5  }
0xe: {  	[smem:$0x3FB1] =	sst s6  }
0xf: {  	[smem:$0x3FB2] =	sst s7  }
0x10: {  	[smem:$0x3FB3] =	sst s8  }
0x11: {  	[smem:$0x3FB4] =	sst s9;
	s0 =	simm.s32 @!p0 $0x0  }
0x12: {  	s1 =	sld [smem:$0x3F9A];
	s0 =	simm.s32 @p0 $0x1  }
0x13: {  	[smem:$0x3FB5] =	sst s0;
	s0 =	simm.s32 @!p1 $0x0  }
0x14: {  	s2 =	sld [smem:$0x3F99];
	s0 =	simm.s32 @p1 $0x1  }
0x15: {  	[smem:$0x3FB6] =	sst s0;
	s0 =	simm.s32 @!p2 $0x0  }
0x16: {  	s3 =	sld [smem:$0x3FDB];
	s0 =	simm.s32 @p2 $0x1  }
0x17: {  	s4 =	simm.s32 $0x1BF5;
	[smem:$0x3FB8] =	sst s0  }
0x18: {  	s0 =	sld [smem:$0x3F9B];
	_ =	swait.ge [sflag:s4], $0x0  }
0x19: {  	s7 =	sld [smem:$0x3F9C]  }
0x1a: {  	s8 =	sadd.s32 $0xFFFFE003, lr  }
0x1b: {  	s9 =	sadd.s32 $0xFFFFFEF7, lr;
	s5 =	simm.s32 $0xFFFFFFFF;
	p2 =	slt.u32 s8, $0xFFFFF086  }
0x1c: {  	p1 =	slt.u32 s9, $0xF7A;
	s5 =	simm.s32 @!p2 $0x0  }
0x1d: {  	s5 =	simm.s32 @p1 $0x1;
	p0 =	seq.s32 s7, s2  }
0x1e: {  	s7 =	smul.u32 @!p0 $0xF7A, s2;
	p2 =	seq.s32 @!p0 s5, $0x0  }
0x1f: {  	s9 =	smul.u32 $0xF7A, s1;
	s8 =	simm.s32 @!p0 $0x1BF5;
	p2 =	por !p2, p0  }
0x20: {  	[sflag:s8] =	ssyncset.s32 @!p0 $0xFFFFF086;
	s6 =	sadd.s32 @!p0 s3, s7;
	s7 =	simm.s32 @!p0 $0x108  }
0x21: {  	s3 =	sadd.s32 s3, s9;
	s6 =	sadd.s32 @!p0 $0x88, s6;
	s7 =	simm.s32 @p2 $0x1082  }
0x22: {  	[simem:s7], [sflag:s8] =	dma.local @!p0 [hbm:s6], $0xF7A  }
0x23: {  	s9 =	sor.u32 $0xD0000000, s2;
	s6 =	simm.s32 $0x108;
	_ =	swait.ge @!p0 [sflag:s8], $0x0  }
0x24: {  	s3 =	sadd.s32 $0x88, s3;
	s6 =	simm.s32 @!p1 $0x1082;
	[sflag:s4] =	ssyncset.s32 $0xFFFFF086  }
0x25: {  	[simem:s6], [sflag:s4] =	dma.local [hbm:s3], $0xF7A  }
0x26: {  	[smem:$0x3F9C] =	sst s1;
	(tag) =	ssettag s2;
	_ =	strace s9  }
0x27: {  	s1 =	sld [smem:$0x3FAC]  }
0x28: {  	s2 =	sld [smem:$0x3FAD]  }
0x29: {  	s4 =	sld [smem:$0x3FAF]  }
0x2a: {  	p0 =	seq.s32 s5, $0x0;
	s5 =	sld [smem:$0x3FB0]  }
0x2b: {  	s6 =	sld [smem:$0x3FB1]  }
0x2c: {  	s7 =	sld [smem:$0x3FB2]  }
0x2d: {  	s3 =	simm.s32 $0x108;
	s8 =	sld [smem:$0x3FB3]  }
0x2e: {  	s3 =	simm.s32 @!p0 $0x1082;
	s9 =	sld [smem:$0x3FB4]  }
0x2f: {  	lr =	sadd.s32 s0, s3;
	s0 =	sld [smem:$0x3FAB]  }
0x30: {  	s3 =	sld [smem:$0x3FAE]  }
0x31: {  	[smem:$0x3FB7] =	sst s10  }
0x32: {  	s10 =	sld [smem:$0x3FB5];
	_ =	sdelay $0x3  }
0x33: {  	p0 =	seq.s32 s10, $0x1;
	s10 =	sld [smem:$0x3FB7];
	_ =	sdelay $0x3  }
0x34: {  	[smem:$0x3FB7] =	sst s10  }
0x35: {  	s10 =	sld [smem:$0x3FB6];
	_ =	sdelay $0x3  }
0x36: {  	p1 =	seq.s32 s10, $0x1;
	s10 =	sld [smem:$0x3FB7];
	_ =	sdelay $0x3  }
0x37: {  	[smem:$0x3FB7] =	sst s10  }
0x38: {  	s10 =	sld [smem:$0x3FB8]  }
0x39: {  	_ = 	snop;
	(pc) =	sbr.ind lr, $3  }
0x3a: {  	_ = 	snop  }
0x3b: {  	_ = 	snop  }
0x3c: {  	p2 =	seq.s32 s10, $0x1;
	s10 =	sld [smem:$0x3FB7]  }
0x3d: {  	_ =	shalt  }
0x3e: {  	_ =	shalt  }
0x3f: {  	_ =	shalt  }
0x40: {  	_ =	shalt  }
0x41: {  	_ =	shalt  }
0x42: {  	_ =	shalt  }
0x43: {  	_ =	shalt  }
0x44: {  	_ =	shalt  }
0x45: {  	_ =	shalt  }
0x46: {  	_ =	shalt  }
0x47: {  	_ =	shalt  }
0x48: {  	_ =	shalt  }
0x49: {  	_ =	shalt  }
0x4a: {  	_ =	shalt  }
0x4b: {  	_ =	shalt  }
0x4c: {  	_ =	shalt  }
0x4d: {  	_ =	shalt  }
0x4e: {  	_ =	shalt  }
0x4f: {  	_ =	shalt  }
0x50: {  	_ =	shalt  }
0x51: {  	_ =	shalt  }
0x52: {  	_ =	shalt  }
0x53: {  	_ =	shalt  }
0x54: {  	_ =	shalt  }
0x55: {  	_ =	shalt  }
0x56: {  	_ =	shalt  }
0x57: {  	_ =	shalt  }
0x58: {  	_ =	shalt  }
0x59: {  	_ =	shalt  }
0x5a: {  	_ =	shalt  }
0x5b: {  	_ =	shalt  }
0x5c: {  	_ =	shalt  }
0x5d: {  	_ =	shalt  }
0x5e: {  	_ =	shalt  }
0x5f: {  	_ =	shalt  }
0x60: {  	_ =	shalt  }
0x61: {  	_ =	shalt  }
0x62: {  	_ =	shalt  }
0x63: {  	_ =	shalt  }
0x64: {  	_ =	shalt  }
0x65: {  	_ =	shalt  }
0x66: {  	_ =	shalt  }
0x67: {  	_ =	shalt  }
0x68: {  	_ =	shalt  }
0x69: {  	_ =	shalt  }
0x6a: {  	_ =	shalt  }
0x6b: {  	_ =	shalt  }
0x6c: {  	_ =	shalt  }
0x6d: {  	_ =	shalt  }
0x6e: {  	_ =	shalt  }
0x6f: {  	_ =	shalt  }
0x70: {  	_ =	shalt  }
0x71: {  	_ =	shalt  }
0x72: {  	_ =	shalt  }
0x73: {  	_ =	shalt  }
0x74: {  	_ =	shalt  }
0x75: {  	_ =	shalt  }
0x76: {  	_ =	shalt  }
0x77: {  	_ =	shalt  }
0x78: {  	_ =	shalt  }
0x79: {  	_ =	shalt  }
0x7a: {  	_ =	shalt  }
0x7b: {  	_ =	shalt  }
0x7c: {  	_ =	shalt  }
0x7d: {  	_ =	shalt  }
0x7e: {  	_ =	shalt  }
0x7f: {  	_ =	shalt  }
0x80: {  	_ =	shalt  }
0x81: {  	_ =	shalt  }
0x82: {  	_ =	shalt  }
0x83: {  	_ =	shalt  }
0x84: {  	_ =	shalt  }
0x85: {  	_ =	shalt  }
0x86: {  	_ =	shalt  }
0x87: {  	_ =	shalt  }
.Lfunc_end0:
.L_simem_size_0:
called_computation_lowered:
.L_overlay_start_0:
0x88: {  	s2 =	sld [smem:$0x3FD9]  }
0x89: {  	s3 =	sld [smem:$0x3FFE];
	_ =	sdelay $0x1  }
0x8a: {  	s1 =	srdreg.scid  }
0x8b: {  	s0 =	sand.u32 $0x1, s1  }
0x8c: {  	s17 =	sshll.u32 s0, $0xA;
	s2 =	sadd.s32 s3, s2  }
0x8d: {  	s2 =	sadd.s32 s2, s17  }
0x8e: {  	[smem:$0x3FC3] =	sst s2  }
0x8f: {  	_ = 	snop  }
0x90: {  	s2 =	sld [smem:$0x3FD0];
	(tm) =	ssettm $0x1  }
0x91: {  	s18 =	sld [smem:$0x3FFB];
	_ =	sdelay $0x3  }
0x92: {  	_ =	strace s18  }
0x93: {  	s3 =	sld [smem:$0x3FFC];
	_ =	sdelay $0x3  }
0x94: {  	_ =	strace s3  }
0x95: {  	s3 =	sld [smem:$0x3FFD];
	_ =	sdelay $0x3  }
0x96: {  	_ =	strace s3  }
0x97: {  	_ =	strace $0x8FFFFFFF  }
0x98: {  	s19 =	sld [smem:$0x3FDB];
	_ =	sdelay $0x1  }
0x99: {  	s4 =	simm.s32 $_scs_section_size  }
0x9a: {  	s5 =	simm.s32 $_size__tile_overlayer_lowered;
	s6 =	simm.s32 $_tile_overlayer_lowered  }
0x9b: {  	s22 =	simm.s32 $0x1BFF;
	s21 =	sshll.u32 s6, $0x1;
	s3 =	sadd.s32 s4, s19  }
0x9c: {  	s7 =	simm.s32 $0x0;
	s20 =	sshll.u32 s5, $0x1;
	s5 =	sadd.s32 s21, s3  }
0x9d: {  	[timem:s7], [sflag:s22] =	dma.local [hbm:s5], s20  }
0x9e: {  	_ =	swait.ge [sflag:s22], s20  }
0x9f: {  	s4 =	ssub.s32 $0x0, s20;
	[sflag:s22] =	ssyncset.done $0x0  }
0xa0: {  	[sflag:s22] =	ssyncadd.s32 s4;
	_ =	sdelay $0x1  }
0xa1: {  	s23 =	simm.s32 $0x1B8B  }
0xa2: {  	_ =	swait.ge [sflag:s23], $0x1  }
0xa3: {  	[sflag:s23] =	ssyncset.done $0x0  }
0xa4: {  	s25 =	simm.s32 $0x1B8E;
	s24 =	sld [smem:$0x3FFE];
	[sflag:s23] =	ssyncadd.s32 $0xFFFFFFFF  }
0xa5: {  	s26 =	simm.s32 $execute0_lowered;
	[smem:$0x3FD2] =	sst s25  }
0xa6: {  	s5 =	sshll.u32 s26, $0x1;
	_ =	strace $0x80000046;
	[dreg:$0x1] =	wrdreg $0xFFFFFFFF  }
0xa7: {  	s28 =	simm.s32 $_size_execute0_lowered;
	s3 =	sadd.s32 s3, s5;
	[dreg:$0x0] =	wrdreg $0x0  }
0xa8: {  	s5 =	sshll.u32 s28, $0x1;
	[dreg:$0x2] =	wrdreg s3  }
0xa9: {  	[dreg:$0x3] =	wrdreg s5  }
0xaa: {  	[dreg:$0x4] =	wrdreg $0xC0  }
0xab: {  	_ =	task [dreg:s7], $0x5FFFF  }
0xac: {  	[dreg:$0x1] =	wrdreg $0xFFFFFFFF  }
0xad: {  	[dreg:$0x0] =	wrdreg $0x60  }
0xae: {  	[dreg:$0x2] =	wrdreg s2  }
0xaf: {  	[dreg:$0x3] =	wrdreg s24  }
0xb0: {  	[dreg:$0x4] =	wrdreg $0x9  }
0xb1: {  	_ =	task.clear_ibuf [dreg:s7], $0x5FFFF;
	_ =	strace $0x90000046  }
0xb2: {  	s29 =	simm.s32 $0x9;
	_ =	strace $0x80000048  }
0xb3: {  	_ =	swait.ge [sflag:s29], $0x1  }
0xb4: {  	[sflag:s29] =	ssyncadd.s32 $0xFFFFFFFF  }
0xb5: {  	_ =	strace $0x90000048  }
0xb6: {  	_ =	sfence  }
0xb7: {  	s30 =	sld [smem:$0x0];
	_ =	sdelay $0x2  }
0xb8: {  	s31 =	sshll.u32 s1, $0xD;
	s1 =	sshrl.u32 s1, $0x2  }
0xb9: {  	s3 =	sand.u32 $0x4000, s31;
	s1 =	sadd.s32 s1, s30  }
0xba: {  	s0 =	sor.u32 s3, s0;
	s1 =	sshll.u32 s1, $0x11  }
0xbb: {  	s0 =	sor.u32 s1, s0  }
0xbc: {  	s0 =	sadd.s32 $0x8F2B, s0  }
0xbd: {  	[sflag:s0] =	ssyncadd.remote.s32 $0x1  }
0xbe: {  	_ =	sfence.sel $0xFFFF  }
0xbf: {  	[dreg:$0x0] =	wrdreg $0xFFFFFFFF;
	(pc) =	sbr.abs _section_cstart, $3  }
0xc0: {  	[dreg:$0x1] =	wrdreg $0xFFFFFFFF  }
0xc1: {  	_ =	task.clear_ibuf [dreg:s7], $0x2FFFF;
	_ =	strace $0x9FFFFFFF  }
0xc2: {  	(tm) =	ssettm $0x7FFFFFFF  }
0xc3: {  	_ =	shalt  }
tec
execute0_lowered:
.L_overlay_start_1:
0x0: {  	(tag) =	ssettag $0x1  }
0x1: {  	s0 =	rddreg [dreg:$0x1];
	s2 =	simm.s32 $0x0  }
0x2: {  	s25 =	srdreg.scid;
	s5 =	stileid.u32;
	s14 =	simm.s32 $0x80  }
0x3: {  	s15 =	simm.s32 $0x400;
	s16 =	simm.s32 $0xC400;
	s28 =	simm.s32 $0x1C700  }
0x4: {  	s29 =	simm.s32 $0x1CE00;
	s30 =	simm.s32 $0x1D500;
	s31 =	simm.s32 $0x2  }
0x5: {  	s13 =	simm.s32 $0x5;
	[smem:$0x7FF] =	sst s2;
	s1 =	sadd.s32 $0x189C00, s0  }
0x6: {  	s4 =	sadd.s32 $0x1C00, s0;
	s6 =	sadd.s32 $0x2AFC00, s0;
	s7 =	sadd.s32 $0x311C00, s0  }
0x7: {  	s8 =	sadd.s32 $0x373C00, s0;
	s9 =	sadd.s32 $0x3D5C00, s0;
	s5 =	sshll.u32 s5, $0x1  }
0x8: {  	_ =	strace $0x80000047;
	[dreg:$0x3] =	wrdreg s1;
	s1 =	sand.u32 $0x1, s25  }
0x9: {  	s10 =	sadd.s32 $0x437C00, s0;
	s3 =	ssub.s32 $0x2, s1;
	s1 =	sor.u32 s1, s5  }
0xa: {  	s11 =	sadd.s32 $0x63C00, s0;
	s12 =	sshrl.u32 s3, $0x1;
	s1 =	smul.u32 $0x6, s1  }
0xb: {  	s5 =	simm.s32 $0x3;
	s26 =	ssub.s32 s3, s12;
	s12 =	simm.s32 $0x0  }
0xc: {  	[dreg:$0x4] =	wrdreg s1;
	s0 =	smax.u32 s26, $0x1;
	s26 =	simm.s32 $0x1C000  }
0xd: {  	s1 =	simm.s32 $0x1E300;
	[dreg:$0x5] =	wrdreg s0;
	s0 =	simm.s32 $0x1DC00  }
.LBB2_1:
0xe: {  	[dreg:$0x6] =	wrdreg s12;
	s12 =	simm.s32 $0x0  }
.LBB2_2:
0xf: {  	s3 =	rddreg [dreg:$0x4]  }
0x10: {  	s24 =	sadd.s32 s3, s12  }
0x11: {  	s3 =	sshrl.u32 s24, $0x3  }
0x12: {  	s17 =	sshll.u32 s24, $0x7;
	s3 =	smul.u32 $0x62000, s3  }
0x13: {  	s17 =	sand.u32 $0x380, s17  }
0x14: {  	[dreg:$0x7] =	wrdreg s12;
	s3 =	sor.u32 s17, s3  }
0x15: {  	s18 =	rddreg [dreg:$0x0];
	s23 =	simm.s32 $0x0;
	s17 =	sshrl.u32 s3, $0x3  }
0x16: {  	s25 =	rddreg [dreg:$0x3];
	s12 =	smulhi.u32 $0xAAAAAAAB, s24;
	s18 =	sadd.s32 s18, s17  }
0x17: {  	[tilespmem:s23], [sflag:$0x1] =	stream.strided.gather [hbm4b:s18+s14], $0xC400, s15, s14, $0x38;
	[tilespmem:$0x1EA00] =	vst v63  }
0x18: {  	s19 =	sshrl.u32 s12, $0x4;
	s17 =	sadd.s32 s25, s17  }
0x19: {  	[tilespmem:s16], [sflag:$0x1] =	stream.strided.gather [hbm4b:s17+s14], $0xC400, s15, s14, $0x38;
	[tilespmem:$0x1EA00] =	vst v63  }
0x1a: {  	s12 =	sshll.u32 s12, $0x6;
	s17 =	smul.u32 $0x62000, s19  }
0x1b: {  	s12 =	sand.u32 $0x380, s12  }
0x1c: {  	s12 =	sor.u32 s12, s17  }
0x1d: {  	s17 =	sshrl.u32 s12, $0x3  }
0x1e: {  	s19 =	simm.s32 $0x18800;
	s20 =	sadd.s32 s4, s17  }
0x1f: {  	[tilespmem:s19], [sflag:$0x2] =	stream.strided.gather [hbm4b:s20+s14], $0x700, s15, s14, $0x38;
	[tilespmem:$0x1EA00] =	vst v63  }
0x20: {  	s22 =	simm.s32 $0x18F00;
	s21 =	sadd.s32 s6, s17  }
0x21: {  	[tilespmem:s22], [sflag:$0x2] =	stream.strided.gather [hbm4b:s21+s14], $0x700, s15, s14, $0x38;
	[tilespmem:$0x1EA00] =	vst v63  }
0x22: {  	s25 =	simm.s32 $0x19600;
	s24 =	sadd.s32 s7, s17  }
0x23: {  	[tilespmem:s25], [sflag:$0x2] =	stream.strided.gather [hbm4b:s24+s14], $0x700, s15, s14, $0x38;
	[tilespmem:$0x1EA00] =	vst v63  }
0x24: {  	s19 =	sadd.s32 s8, s17;
	s20 =	simm.s32 $0x19D00  }
0x25: {  	[tilespmem:s20], [sflag:$0x2] =	stream.strided.gather [hbm4b:s19+s14], $0x700, s15, s14, $0x38;
	[tilespmem:$0x1EA00] =	vst v63  }
0x26: {  	s21 =	sadd.s32 s9, s17;
	s22 =	simm.s32 $0x1A400  }
0x27: {  	[tilespmem:s22], [sflag:$0x2] =	stream.strided.gather [hbm4b:s21+s14], $0x700, s15, s14, $0x38;
	[tilespmem:$0x1EA00] =	vst v63  }
0x28: {  	s17 =	sadd.s32 s10, s17;
	s24 =	simm.s32 $0x1AB00;
	s25 =	simm.s32 $0x1  }
0x29: {  	[tilespmem:s24], [sflag:$0x2] =	stream.strided.gather [hbm4b:s17+s14], $0x700, s15, s14, $0x38;
	[tilespmem:$0x1EA00] =	vst v63  }
0x2a: {  	_ =	swait.ge [sflag:s25], $0xC400  }
0x2b: {  	[sflag:s25] =	ssyncset.done $0x0  }
0x2c: {  	[sflag:s25] =	ssyncadd.s32 $0xFFFF3C00  }
0x2d: {  	_ =	swait.ge [sflag:s25], $0xC400  }
0x2e: {  	[sflag:s25] =	ssyncset.done $0x0  }
0x2f: {  	s17 =	sadd.s32 $0x7000, s12;
	[sflag:s25] =	ssyncadd.s32 $0xFFFF3C00  }
.LBB2_3:
0x30: {  	s19 =	smul.u32 $0x7000, s23;
	_ =	sdelay $0x1  }
0x31: {  	s18 =	sadd.s32 $0x3800, s19  }
0x32: {  	s20 =	sadd.s32 s12, s18  }
0x33: {  	s20 =	sshrl.u32 s20, $0x3  }
0x34: {  	s22 =	simm.s32 $0x1B200;
	s21 =	sadd.s32 s4, s20  }
0x35: {  	[tilespmem:s22], [sflag:$0x3] =	stream.strided.gather [hbm4b:s21+s14], $0x700, s15, s14, $0x38;
	[tilespmem:$0x1EA00] =	vst v63  }
0x36: {  	s24 =	simm.s32 $0x1B900;
	s22 =	sadd.s32 s6, s20  }
0x37: {  	[tilespmem:s24], [sflag:$0x3] =	stream.strided.gather [hbm4b:s22+s14], $0x700, s15, s14, $0x38;
	[tilespmem:$0x1EA00] =	vst v63  }
0x38: {  	s25 =	sadd.s32 s7, s20  }
0x39: {  	[tilespmem:s26], [sflag:$0x3] =	stream.strided.gather [hbm4b:s25+s14], $0x700, s15, s14, $0x38;
	[tilespmem:$0x1EA00] =	vst v63  }
0x3a: {  	s22 =	sadd.s32 s8, s20  }
0x3b: {  	[tilespmem:s28], [sflag:$0x3] =	stream.strided.gather [hbm4b:s22+s14], $0x700, s15, s14, $0x38;
	[tilespmem:$0x1EA00] =	vst v63  }
0x3c: {  	s24 =	sadd.s32 s9, s20  }
0x3d: {  	[tilespmem:s29], [sflag:$0x3] =	stream.strided.gather [hbm4b:s24+s14], $0x700, s15, s14, $0x38;
	[tilespmem:$0x1EA00] =	vst v63  }
0x3e: {  	s20 =	sadd.s32 s10, s20  }
0x3f: {  	[tilespmem:s30], [sflag:$0x3] =	stream.strided.gather [hbm4b:s20+s14], $0x700, s15, s14, $0x38;
	[tilespmem:$0x1EA00] =	vst v63  }
0x40: {  	_ =	swait.ge [sflag:s31], $0x2A00  }
0x41: {  	p0 =	seq.s32 s23, $0x0;
	[sflag:s31] =	ssyncset.done $0x0  }
0x42: {  	s20 =	simm.s32 @!p0 $0x4;
	[sflag:s31] =	ssyncadd.s32 $0xFFFFD600  }
0x43: {  	_ =	swait.ge @!p0 [sflag:s20], $0x700  }
0x44: {  	s25 =	simm.s32 $0x0;
	[sflag:s20] =	ssyncset.done @!p0 $0x0  }
0x45: {  	s22 =	sand.u32 $0x7F0, s25;
	[sflag:s20] =	ssyncadd.s32 @!p0 $0xFFFFF900  }
0x46: {  	s24 =	simm.s32 $0x19D10;
	v0 =	vld [tilespmem:s22+$0x19D00]  }
0x47: {  	v1 =	vld [tilespmem:s24+$0xFFFFEAF0]  }
0x48: {  	v4 =	vld [tilespmem:s24+$0xFFFFEB00]  }
0x49: {  	v5 =	vld [tilespmem:s24+$0x0]  }
0x4a: {  	v7 =	vld [tilespmem:s24+$0xFFFFEB10]  }
0x4b: {  	v8 =	vld [tilespmem:s22+$0x18F00]  }
0x4c: {  	v11 =	vld [tilespmem:s22+$0x1A400]  }
0x4d: {  	v15 =	vld [tilespmem:s24+$0x10]  }
0x4e: {  	v18 =	vld [tilespmem:s24+$0xFFFFF200]  }
0x4f: {  	v20 =	vld [tilespmem:s22+$0x1AB00]  }
0x50: {  	v22 =	vld [tilespmem:s22+$0x19600]  }
0x51: {  	v25 =	vld [tilespmem:s24+$0x700]  }
0x52: {  	v26 =	vld [tilespmem:s24+$0xFFFFF210]  }
0x53: {  	v28 =	vld [tilespmem:s24+$0x710];
	v2 =	vand.u32 $0xFFFF, v0  }
0x54: {  	s21 =	simm.s32 $0x19D40;
	v63 =	vld [tilespmem:s24+$0xE10];
	v3 =	vshrl.u32 v0, $0x10;
	v0 =	vshrl.u32 v0, $0x18;
	v9 =	vand.u32 $0xFFFF, v1  }
0x55: {  	v42 =	vld [tilespmem:s21+$0xFFFFEB00];
	v10 =	vshrl.u32 v1, $0x10;
	v1 =	vshrl.u32 v1, $0x18;
	v13 =	vand.u32 $0xFFFF, v4  }
0x56: {  	v43 =	vld [tilespmem:s21+$0x0];
	v14 =	vshrl.u32 v4, $0x10;
	v4 =	vshrl.u32 v4, $0x18;
	v16 =	vand.u32 $0xFFFF, v5  }
0x57: {  	s20 =	simm.s32 $0x30;
	v45 =	vld [tilespmem:s21+$0xFFFFEB10];
	v17 =	vshrl.u32 v5, $0x10;
	v5 =	vshrl.u32 v5, $0x18;
	v0 =	vadd.s32 v0, v2  }
0x58: {  	s25 =	sand.u32 $0x7F0, s20;
	v37 =	vld [tilespmem:s21+$0x10];
	v21 =	vand.u32 $0xFFFF, v7;
	v23 =	vshrl.u32 v7, $0x10;
	v1 =	vadd.s32 v1, v9  }
0x59: {  	v62 =	vld [tilespmem:s25+$0x19D00];
	v7 =	vshrl.u32 v7, $0x18;
	v3 =	vand.u32 $0x1, v3;
	v4 =	vadd.s32 v4, v13  }
0x5a: {  	v10 =	vand.u32 $0x1, v10;
	v5 =	vadd.s32 v5, v16;
	v6 =	vadd.s32 v2, v3;
	v2 =	vld.idx.msk [tilespmem:v2+s16+$0x0], $0xffff  }
0x5b: {  	v7 =	vadd.s32 v7, v21;
	v12 =	vadd.s32 v9, v10;
	v9 =	vld.idx.msk [tilespmem:v9+s2+$0x0], $0xffff  }
0x5c: {  	v3 =	vadd.s32 v3, v0;
	v0 =	vld.idx.msk [tilespmem:v0+s16+$0x0], $0xffff  }
0x5d: {  	v14 =	vand.u32 $0x1, v14;
	v10 =	vadd.s32 v10, v1;
	v1 =	vld.idx.msk [tilespmem:v1+s2+$0x0], $0xffff  }
0x5e: {  	v17 =	vand.u32 $0x1, v17;
	v19 =	vadd.s32 v13, v14;
	v14 =	vadd.s32 v14, v4;
	v4 =	vld.idx.msk [tilespmem:v4+s2+$0x0], $0xffff  }
0x5f: {  	v23 =	vand.u32 $0x1, v23;
	v24 =	vadd.s32 v16, v17;
	v17 =	vadd.s32 v17, v5;
	v5 =	vld.idx.msk [tilespmem:v5+s16+$0x0], $0xffff  }
0x60: {  	v27 =	vadd.s32 v21, v23;
	v23 =	vadd.s32 v23, v7;
	v7 =	vld.idx.msk [tilespmem:v7+s2+$0x0], $0xffff  }
0x61: {  	v29 =	vshrl.u32 v15, $0x10;
	v6 =	vld.idx.msk [tilespmem:v6+s16+$0x0], $0xffff  }
0x62: {  	v30 =	vand.u32 $0xFFFF, v15;
	v15 =	vshrl.u32 v15, $0x18;
	v31 =	vshll.u32 v11, $0x10;
	v3 =	vld.idx.msk [tilespmem:v3+s16+$0x0], $0xffff  }
0x63: {  	v33 =	vshll.u32 v8, $0x10;
	v50 =	vshll.u32 v63, $0x10;
	v51 =	vand.u32 $0xFFFF, v42;
	v12 =	vld.idx.msk [tilespmem:v12+s2+$0x0], $0xffff  }
0x64: {  	v52 =	vshrl.u32 v42, $0x10;
	v53 =	vand.u32 $0xFFFF, v43;
	v54 =	vshrl.u32 v43, $0x10;
	v10 =	vld.idx.msk [tilespmem:v10+s2+$0x0], $0xffff  }
0x65: {  	v34 =	vand.u32 $0xFFFF, v45;
	v29 =	vand.u32 $0x1, v29;
	v14 =	vld.idx.msk [tilespmem:v14+s2+$0x0], $0xffff;
	v2 =	vmul.f32 v31, v2  }
0x66: {  	v15 =	vadd.s32 v15, v30;
	v17 =	vld.idx.msk [tilespmem:v17+s16+$0x0], $0xffff;
	v9 =	vmul.f32 v33, v9;
	v0 =	vmul.f32 v11, v0  }
0x67: {  	v32 =	vadd.s32 v30, v29;
	v23 =	vld.idx.msk [tilespmem:v23+s2+$0x0], $0xffff;
	v1 =	vmul.f32 v8, v1;
	v4 =	vmul.f32 v18, v4  }
0x68: {  	v39 =	vld [tilespmem:s21+$0xFFFFF200];
	v29 =	vadd.s32 v29, v15;
	v5 =	vmul.f32 v25, v5;
	v7 =	vmul.f32 v26, v7  }
0x69: {  	v55 =	vld [tilespmem:s21+$0x700];
	v35 =	vshrl.u32 v45, $0x10;
	v6 =	vmul.f32 v31, v6;
	v3 =	vmul.f32 v11, v3  }
0x6a: {  	v47 =	vld [tilespmem:s25+$0x1A400];
	v41 =	vshrl.u32 v62, $0x18;
	v11 =	vmul.f32 v33, v12;
	v8 =	vmul.f32 v8, v10  }
0x6b: {  	v19 =	vld.idx.msk [tilespmem:v19+s2+$0x0], $0xffff;
	v10 =	vshll.u32 v22, $0x10;
	v14 =	vmul.f32 v18, v14;
	v17 =	vmul.f32 v25, v17  }
0x6c: {  	v24 =	vld.idx.msk [tilespmem:v24+s16+$0x0], $0xffff;
	v61 =	vmul.f32 v26, v23;
	v23 =	vshrl.u32 v42, $0x18;
	v31 =	vand.u32 $0x1, v52  }
0x6d: {  	v0 =	vadd.f32 v0, v2;
	v1 =	vadd.f32 v1, v9;
	v9 =	vld.idx.msk [tilespmem:v29+s16+$0x0], $0xffff;
	v23 =	vadd.s32 v23, v51  }
0x6e: {  	v2 =	vadd.f32 v3, v6;
	v3 =	vld.idx.msk [tilespmem:v32+s16+$0x0], $0xffff;
	v6 =	vadd.f32 v8, v11;
	v8 =	vshll.u32 v20, $0x10  }
0x6f: {  	v36 =	vadd.s32 v51, v31;
	v0 =	vmul.f32 v8, v0;
	v8 =	vld.idx.msk [tilespmem:v15+s16+$0x0], $0xffff;
	v1 =	vmul.f32 v10, v1  }
0x70: {  	v11 =	vshll.u32 v18, $0x10;
	v10 =	vld.idx.msk [tilespmem:v13+s2+$0x0], $0xffff;
	v2 =	vmul.f32 v20, v2;
	v6 =	vmul.f32 v22, v6  }
0x71: {  	v12 =	vld.idx.msk [tilespmem:v16+s16+$0x0], $0xffff;
	v31 =	vadd.s32 v31, v23;
	v13 =	vshll.u32 v26, $0x10;
	v15 =	vmul.f32 v11, v19  }
0x72: {  	v27 =	vld.idx.msk [tilespmem:v27+s2+$0x0], $0xffff;
	v20 =	vshll.u32 v28, $0x10;
	v1 =	vadd.f32 v6, v1;
	v0 =	vadd.f32 v2, v0  }
0x73: {  	v16 =	vld.idx.msk [tilespmem:v30+s16+$0x0], $0xffff;
	v2 =	vshll.u32 v25, $0x10;
	v9 =	vmul.f32 v28, v9;
	v3 =	vmul.f32 v20, v3  }
0x74: {  	v14 =	vadd.f32 v14, v15;
	v6 =	vld.idx.msk [tilespmem:v21+s2+$0x0], $0xffff;
	v0 =	vadd.f32 v0, v1;
	v1 =	vmul.f32 v2, v24  }
0x75: {  	v8 =	vmul.f32 v28, v8;
	v10 =	vmul.f32 v11, v10;
	v3 =	vadd.f32 v9, v3;
	v9 =	vld [tilespmem:s21+$0xFFFFEAF0]  }
0x76: {  	v19 =	vld [tilespmem:s24+$0xFFFFF900];
	v2 =	vmul.f32 v2, v12;
	v11 =	vand.u32 $0xFFFF, v62;
	v12 =	vshrl.u32 v62, $0x10  }
0x77: {  	v15 =	vld [tilespmem:s24+$0xE00];
	v4 =	vadd.f32 v4, v10;
	v10 =	vand.u32 $0x1, v12;
	v12 =	vadd.s32 v41, v11  }
0x78: {  	v56 =	vld.idx.msk [tilespmem:v31+s2+$0x0], $0xffff;
	v1 =	vadd.f32 v17, v1;
	v2 =	vadd.f32 v5, v2;
	v44 =	vadd.s32 v11, v10  }
0x79: {  	v17 =	vld [tilespmem:s24+$0xFFFFF910];
	v5 =	vmul.f32 v20, v16;
	v6 =	vmul.f32 v13, v6;
	v10 =	vadd.s32 v10, v12  }
0x7a: {  	v16 =	vld [tilespmem:s25+$0x18F00];
	v20 =	vand.u32 $0xFFFF, v9;
	v46 =	vshrl.u32 v9, $0x10;
	v9 =	vshrl.u32 v9, $0x18  }
0x7b: {  	v6 =	vadd.f32 v7, v6;
	v11 =	vld.idx.msk [tilespmem:v11+s16+$0x0], $0xffff;
	v7 =	vand.u32 $0x1, v46;
	v9 =	vadd.s32 v9, v20  }
0x7c: {  	v57 =	vshrl.u32 v37, $0x10;
	v5 =	vadd.f32 v8, v5;
	v12 =	vld.idx.msk [tilespmem:v12+s16+$0x0], $0xffff;
	v8 =	vadd.s32 v20, v7  }
0x7d: {  	v35 =	vand.u32 $0x1, v35;
	v60 =	vmul.f32 v13, v27;
	v7 =	vadd.s32 v7, v9;
	v24 =	vld.idx.msk [tilespmem:v44+s16+$0x0], $0xffff  }
0x7e: {  	v40 =	vadd.s32 v34, v35;
	v33 =	vand.u32 $0x1, v54;
	v22 =	vshrl.u32 v43, $0x18;
	v10 =	vld.idx.msk [tilespmem:v10+s16+$0x0], $0xffff  }
0x7f: {  	s22 =	simm.s32 $0x1DC10;
	v22 =	vadd.s32 v22, v53;
	v18 =	vadd.f32 v61, v60;
	v25 =	vshrl.u32 v45, $0x18;
	v20 =	vld.idx.msk [tilespmem:v20+s2+$0x0], $0xffff  }
0x80: {  	v25 =	vadd.s32 v25, v34;
	v48 =	vshll.u32 v15, $0x10;
	[tilespmem:s22+$0xFFFFFFF0] =	vst v0;
	v13 =	vshll.u32 v19, $0x10;
	v9 =	vld.idx.msk [tilespmem:v9+s2+$0x0], $0xffff  }
0x81: {  	v19 =	vmul.f32 v19, v14;
	v14 =	vadd.s32 v53, v33;
	v21 =	vmul.f32 v63, v3;
	v8 =	vld.idx.msk [tilespmem:v8+s2+$0x0], $0xffff  }
0x82: {  	v33 =	vadd.s32 v33, v22;
	v38 =	vmul.f32 v15, v1;
	v0 =	vmul.f32 v39, v56;
	v7 =	vld.idx.msk [tilespmem:v7+s2+$0x0], $0xffff  }
0x83: {  	v1 =	vshll.u32 v47, $0x10;
	v15 =	vld [tilespmem:s25+$0x1AB00];
	v13 =	vmul.f32 v13, v4;
	v18 =	vmul.f32 v17, v18  }
0x84: {  	v49 =	vshll.u32 v17, $0x10;
	v3 =	vmul.f32 v1, v11;
	v11 =	vmul.f32 v47, v12;
	v12 =	vld [tilespmem:s25+$0x19600]  }
0x85: {  	v58 =	vld.idx.msk [tilespmem:v40+s2+$0x0], $0xffff;
	v17 =	vshll.u32 v16, $0x10;
	v24 =	vmul.f32 v1, v24;
	v10 =	vmul.f32 v47, v10  }
0x86: {  	v23 =	vld.idx.msk [tilespmem:v23+s2+$0x0], $0xffff;
	v11 =	vadd.f32 v11, v3;
	v20 =	vmul.f32 v17, v20;
	v9 =	vmul.f32 v16, v9  }
0x87: {  	v41 =	vld [tilespmem:s21+$0xFFFFF210];
	v3 =	vand.u32 $0xFFFF, v37;
	v8 =	vmul.f32 v17, v8;
	v7 =	vmul.f32 v16, v7  }
0x88: {  	v60 =	vld.idx.msk [tilespmem:v25+s2+$0x0], $0xffff;
	v10 =	vadd.f32 v10, v24;
	v17 =	vadd.s32 v35, v25;
	v9 =	vadd.f32 v9, v20  }
0x89: {  	v33 =	vld.idx.msk [tilespmem:v33+s16+$0x0], $0xffff;
	v16 =	vshll.u32 v12, $0x10;
	v7 =	vadd.f32 v7, v8;
	v8 =	vshll.u32 v15, $0x10  }
0x8a: {  	v20 =	vld.idx.msk [tilespmem:v36+s2+$0x0], $0xffff;
	v8 =	vmul.f32 v8, v11;
	v9 =	vmul.f32 v16, v9;
	v16 =	vand.u32 $0x1, v57  }
0x8b: {  	v11 =	vld.idx.msk [tilespmem:v14+s16+$0x0], $0xffff;
	v7 =	vmul.f32 v12, v7;
	v12 =	vshrl.u32 v37, $0x18;
	v59 =	vadd.s32 v3, v16  }
0x8c: {  	v61 =	vmul.f32 v48, v2;
	v19 =	vadd.f32 v19, v13;
	v13 =	vld.idx.msk [tilespmem:v51+s2+$0x0], $0xffff;
	v12 =	vadd.s32 v12, v3  }
0x8d: {  	v10 =	vmul.f32 v15, v10;
	v7 =	vadd.f32 v7, v9;
	v9 =	vld.idx.msk [tilespmem:v17+s2+$0x0], $0xffff;
	v17 =	vadd.s32 v16, v12  }
0x8e: {  	v5 =	vmul.f32 v50, v5;
	v6 =	vmul.f32 v49, v6;
	v1 =	vld [tilespmem:s21+$0x710];
	v14 =	vshll.u32 v39, $0x10  }
0x8f: {  	v8 =	vadd.f32 v10, v8;
	v16 =	vshll.u32 v55, $0x10;
	v10 =	vmul.f32 v14, v20;
	v20 =	vld.idx.msk [tilespmem:v22+s16+$0x0], $0xffff  }
0x90: {  	v2 =	vmul.f32 v55, v33;
	v15 =	vshll.u32 v41, $0x10;
	v11 =	vmul.f32 v16, v11;
	v4 =	vld.idx.msk [tilespmem:v59+s16+$0x0], $0xffff  }
0x91: {  	v62 =	vmul.f32 v15, v58;
	v8 =	vadd.f32 v8, v7;
	v0 =	vadd.f32 v0, v10;
	v10 =	vld.idx.msk [tilespmem:v12+s16+$0x0], $0xffff  }
0x92: {  	s24 =	simm.s32 $0x1DC40;
	v2 =	vadd.f32 v2, v11;
	v12 =	vadd.f32 v38, v61;
	v7 =	vld.idx.msk [tilespmem:v17+s16+$0x0], $0xffff;
	v11 =	vmul.f32 v41, v9  }
0x93: {  	v21 =	vadd.f32 v21, v5;
	v63 =	vadd.f32 v18, v6;
	[tilespmem:s24+$0xFFFFFFF0] =	vst v8;
	v8 =	vmul.f32 v41, v60  }
0x94: {  	v18 =	vld.idx.msk [tilespmem:v53+s16+$0x0], $0xffff;
	v17 =	vshll.u32 v1, $0x10;
	v6 =	vadd.f32 v11, v62;
	v11 =	vadd.f32 v12, v19  }
0x95: {  	v9 =	vmul.f32 v39, v23;
	v5 =	vmul.f32 v55, v20;
	v19 =	vld.idx.msk [tilespmem:v34+s2+$0x0], $0xffff;
	v12 =	vadd.f32 v21, v63  }
.LBB2_4:
0x96: {  	s20 =	sadd.s32 $0x30, s20;
	v3 =	vld.idx.msk [tilespmem:v3+s16+$0x0], $0xffff;
	v4 =	vmul.f32 v17, v4;
	[tilespmem:s22+$0x0] =	vst v11  }
0x97: {  	v7 =	vmul.f32 v1, v7;
	s25 =	sand.u32 $0x7F0, s20;
	v20 =	vld [tilespmem:s21+$0xFFFFF900];
	[tilespmem:s22+$0x10] =	vst v12;
	s22 =	smov.u32 s24  }
0x98: {  	v1 =	vmul.f32 v1, v10;
	v11 =	vld [tilespmem:s25+$0x19D00]  }
0x99: {  	v10 =	vmul.f32 v14, v13;
	v21 =	vadd.f32 v7, v4;
	v14 =	vld [tilespmem:s21+$0xE00]  }
0x9a: {  	v12 =	vmul.f32 v16, v18;
	v16 =	vld [tilespmem:s21+$0xFFFFF910]  }
0x9b: {  	p1 =	slt.u32 s20, $0x6C0;
	v4 =	vadd.f32 v9, v10;
	v9 =	vmul.f32 v15, v19;
	v15 =	vld [tilespmem:s21+$0xE10];
	s21 =	sadd.s32 $0x30, s21  }
0x9c: {  	v5 =	vadd.f32 v5, v12;
	v3 =	vmul.f32 v17, v3;
	v18 =	vld [tilespmem:s21+$0xFFFFEAF0];
	v7 =	vshll.u32 v20, $0x10  }
0x9d: {  	v17 =	vand.u32 $0xFFFF, v11;
	v10 =	vshrl.u32 v11, $0x10;
	v11 =	vshrl.u32 v11, $0x18;
	v19 =	vld [tilespmem:s21+$0xFFFFEB00]  }
0x9e: {  	v8 =	vadd.f32 v8, v9;
	v10 =	vand.u32 $0x1, v10;
	v22 =	vadd.s32 v11, v17;
	v23 =	vld [tilespmem:s21+$0x0]  }
0x9f: {  	v9 =	vadd.f32 v1, v3;
	v12 =	vshll.u32 v14, $0x10;
	v24 =	vadd.s32 v17, v10;
	v25 =	vld [tilespmem:s21+$0xFFFFEB10]  }
0xa0: {  	v3 =	vadd.s32 v10, v22;
	v13 =	vshll.u32 v16, $0x10;
	v1 =	vld [tilespmem:s25+$0x18F00];
	v10 =	vshll.u32 v15, $0x10  }
0xa1: {  	v26 =	vand.u32 $0xFFFF, v18;
	v11 =	vshrl.u32 v18, $0x10;
	v18 =	vshrl.u32 v18, $0x18;
	v27 =	vld [tilespmem:s25+$0x1A400]  }
0xa2: {  	v28 =	vand.u32 $0x1, v11;
	v18 =	vadd.s32 v18, v26;
	v17 =	vld.idx.msk [tilespmem:v17+s16+$0x0], $0xffff;
	v11 =	vand.u32 $0xFFFF, v19  }
0xa3: {  	v30 =	vshrl.u32 v19, $0x10;
	v19 =	vshrl.u32 v19, $0x18;
	v29 =	vadd.s32 v26, v28;
	v22 =	vld.idx.msk [tilespmem:v22+s16+$0x0], $0xffff  }
0xa4: {  	v28 =	vadd.s32 v28, v18;
	v31 =	vand.u32 $0xFFFF, v23;
	v32 =	vshrl.u32 v23, $0x10;
	v24 =	vld.idx.msk [tilespmem:v24+s16+$0x0], $0xffff  }
0xa5: {  	v23 =	vshrl.u32 v23, $0x18;
	v33 =	vand.u32 $0xFFFF, v25;
	v34 =	vshrl.u32 v25, $0x10;
	v3 =	vld.idx.msk [tilespmem:v3+s16+$0x0], $0xffff  }
0xa6: {  	v30 =	vand.u32 $0x1, v30;
	v19 =	vadd.s32 v19, v11;
	v25 =	vshrl.u32 v25, $0x18;
	v26 =	vld.idx.msk [tilespmem:v26+s2+$0x0], $0xffff  }
0xa7: {  	v32 =	vand.u32 $0x1, v32;
	v23 =	vadd.s32 v23, v31;
	v34 =	vand.u32 $0x1, v34;
	v18 =	vld.idx.msk [tilespmem:v18+s2+$0x0], $0xffff  }
0xa8: {  	v35 =	vadd.s32 v11, v30;
	v30 =	vadd.s32 v30, v19;
	v25 =	vadd.s32 v25, v33;
	v29 =	vld.idx.msk [tilespmem:v29+s2+$0x0], $0xffff  }
0xa9: {  	v36 =	vadd.s32 v31, v32;
	v32 =	vadd.s32 v32, v23;
	v37 =	vadd.s32 v33, v34;
	v28 =	vld.idx.msk [tilespmem:v28+s2+$0x0], $0xffff  }
0xaa: {  	v20 =	vmul.f32 v20, v0;
	v39 =	vmul.f32 v14, v2;
	v34 =	vadd.s32 v34, v25;
	v38 =	vld [tilespmem:s21+$0x10]  }
0xab: {  	v6 =	vmul.f32 v16, v6;
	v21 =	vmul.f32 v15, v21;
	v0 =	vshll.u32 v27, $0x10;
	v40 =	vld [tilespmem:s21+$0xFFFFF200]  }
0xac: {  	v14 =	vmul.f32 v0, v17;
	v15 =	vmul.f32 v27, v22;
	v2 =	vld [tilespmem:s25+$0x1AB00]  }
0xad: {  	v17 =	vshll.u32 v1, $0x10;
	v0 =	vmul.f32 v0, v24;
	v22 =	vmul.f32 v27, v3;
	v16 =	vld [tilespmem:s25+$0x19600]  }
0xae: {  	v24 =	vmul.f32 v17, v26;
	v18 =	vmul.f32 v1, v18;
	v26 =	vld [tilespmem:s21+$0x700]  }
0xaf: {  	v17 =	vmul.f32 v17, v29;
	v27 =	vmul.f32 v1, v28;
	v28 =	vld [tilespmem:s21+$0xFFFFF210];
	v3 =	vand.u32 $0xFFFF, v38  }
0xb0: {  	v14 =	vadd.f32 v15, v14;
	v0 =	vadd.f32 v22, v0;
	v15 =	vshrl.u32 v38, $0x10;
	v1 =	vld [tilespmem:s21+$0x710]  }
0xb1: {  	v18 =	vadd.f32 v18, v24;
	v17 =	vadd.f32 v27, v17;
	v22 =	vshll.u32 v2, $0x10;
	v24 =	vld.idx.msk [tilespmem:v35+s2+$0x0], $0xffff  }
0xb2: {  	v0 =	vmul.f32 v2, v0;
	v27 =	vshll.u32 v16, $0x10;
	v22 =	vmul.f32 v22, v14;
	v2 =	vld.idx.msk [tilespmem:v30+s2+$0x0], $0xffff  }
0xb3: {  	v16 =	vmul.f32 v16, v17;
	v17 =	vshrl.u32 v38, $0x18;
	v18 =	vmul.f32 v27, v18;
	v27 =	vld.idx.msk [tilespmem:v36+s16+$0x0], $0xffff  }
0xb4: {  	v14 =	vshll.u32 v40, $0x10;
	v30 =	vand.u32 $0x1, v15;
	v29 =	vld.idx.msk [tilespmem:v32+s16+$0x0], $0xffff;
	v32 =	vadd.s32 v17, v3  }
0xb5: {  	v0 =	vadd.f32 v0, v22;
	v22 =	vadd.s32 v3, v30;
	v17 =	vadd.f32 v16, v18;
	v18 =	vld.idx.msk [tilespmem:v37+s2+$0x0], $0xffff  }
0xb6: {  	v15 =	vshll.u32 v28, $0x10;
	v16 =	vshll.u32 v26, $0x10;
	v30 =	vadd.s32 v30, v32;
	v34 =	vld.idx.msk [tilespmem:v34+s2+$0x0], $0xffff  }
0xb7: {  	v24 =	vmul.f32 v14, v24;
	v0 =	vadd.f32 v0, v17;
	v19 =	vld.idx.msk [tilespmem:v19+s2+$0x0], $0xffff;
	v17 =	vshll.u32 v1, $0x10  }
0xb8: {  	s24 =	sadd.s32 $0x30, s24;
	v35 =	vmul.f32 v7, v4;
	v2 =	vmul.f32 v40, v2;
	v23 =	vld.idx.msk [tilespmem:v23+s16+$0x0], $0xffff  }
0xb9: {  	v5 =	vmul.f32 v12, v5;
	v27 =	vmul.f32 v16, v27;
	[tilespmem:s24+$0xFFFFFFF0] =	vst v0;
	v25 =	vld.idx.msk [tilespmem:v25+s2+$0x0], $0xffff  }
0xba: {  	v8 =	vmul.f32 v13, v8;
	v0 =	vadd.f32 v2, v24;
	v2 =	vmul.f32 v26, v29;
	v4 =	vld.idx.msk [tilespmem:v22+s16+$0x0], $0xffff  }
.Ltmp0:
0xbb: {  	v20 =	vadd.f32 v20, v35;
	v12 =	vmul.f32 v15, v18;
	v18 =	vmul.f32 v10, v9;
	v7 =	vld.idx.msk [tilespmem:v30+s16+$0x0], $0xffff;
	(pc) =	sbr.rel @p1 .LBB2_4-.Ltmp0, $4  }
0xbc: {  	v24 =	vadd.f32 v39, v5;
	v2 =	vadd.f32 v2, v27;
	v22 =	vmul.f32 v28, v34;
	v10 =	vld.idx.msk [tilespmem:v32+s16+$0x0], $0xffff  }
0xbd: {  	v27 =	vadd.f32 v6, v8;
	v9 =	vmul.f32 v40, v19;
	v21 =	vadd.f32 v21, v18;
	v13 =	vld.idx.msk [tilespmem:v11+s2+$0x0], $0xffff  }
0xbe: {  	v5 =	vmul.f32 v26, v23;
	v6 =	vadd.f32 v22, v12;
	v11 =	vadd.f32 v24, v20;
	v18 =	vld.idx.msk [tilespmem:v31+s16+$0x0], $0xffff  }
0xbf: {  	v8 =	vmul.f32 v28, v25;
	v12 =	vadd.f32 v21, v27;
	v19 =	vld.idx.msk [tilespmem:v33+s2+$0x0], $0xffff  }
0xc0: {  	_ =	sdelay $0x3  }
0xc1: {  	v3 =	vld.idx.msk [tilespmem:v3+s16+$0x0], $0xffff  }
0xc2: {  	v20 =	vld [tilespmem:s21+$0xFFFFF900]  }
0xc3: {  	v21 =	vld [tilespmem:s21+$0xE00]  }
0xc4: {  	v4 =	vmul.f32 v17, v4;
	v7 =	vmul.f32 v1, v7;
	v22 =	vld [tilespmem:s21+$0xFFFFF910]  }
0xc5: {  	v39 =	vld [tilespmem:s21+$0xE10];
	v37 =	vmul.f32 v1, v10;
	v38 =	vmul.f32 v14, v13  }
0xc6: {  	v4 =	vadd.f32 v7, v4;
	v40 =	vmul.f32 v16, v18;
	v41 =	vmul.f32 v15, v19  }
0xc7: {  	v9 =	vadd.f32 v9, v38;
	v42 =	vshll.u32 v20, $0x10;
	v3 =	vmul.f32 v17, v3  }
0xc8: {  	v5 =	vadd.f32 v5, v40;
	v44 =	vshll.u32 v21, $0x10;
	v0 =	vmul.f32 v20, v0  }
0xc9: {  	v2 =	vmul.f32 v21, v2;
	v45 =	vshll.u32 v22, $0x10;
	v6 =	vmul.f32 v22, v6  }
0xca: {  	v4 =	vmul.f32 v39, v4;
	v43 =	vadd.f32 v8, v41;
	v1 =	vadd.f32 v37, v3  }
0xcb: {  	v13 =	vshll.u32 v39, $0x10;
	v9 =	vmul.f32 v42, v9;
	v5 =	vmul.f32 v44, v5  }
0xcc: {  	v3 =	vmul.f32 v45, v43;
	v1 =	vmul.f32 v13, v1  }
0xcd: {  	v0 =	vadd.f32 v0, v9;
	v2 =	vadd.f32 v2, v5  }
0xce: {  	v3 =	vadd.f32 v6, v3;
	v1 =	vadd.f32 v4, v1  }
0xcf: {  	[tilespmem:s22+$0x0] =	vst v11;
	v0 =	vadd.f32 v2, v0  }
0xd0: {  	[tilespmem:s22+$0x10] =	vst v12;
	v1 =	vadd.f32 v1, v3  }
0xd1: {  	[tilespmem:s24+$0x0] =	vst v0  }
0xd2: {  	[tilespmem:s24+$0x10] =	vst v1  }
0xd3: {  	v0 =	vld [tilespmem:$0x18EF0]  }
0xd4: {  	v48 =	vld [tilespmem:$0x1A3F0];
	_ =	sdelay $0x3  }
0xd5: {  	v46 =	vand.u32 $0xFFFF, v0  }
0xd6: {  	v47 =	vshrl.u32 v0, $0x10;
	v0 =	vshrl.u32 v0, $0x18;
	v51 =	vand.u32 $0xFFFF, v48  }
0xd7: {  	v3 =	vshrl.u32 v48, $0x18;
	v0 =	vadd.s32 v0, v46  }
0xd8: {  	v50 =	vld [tilespmem:$0x195F0];
	v2 =	vand.u32 $0x1, v47;
	v3 =	vadd.s32 v3, v51  }
0xd9: {  	v54 =	vld [tilespmem:$0x1AAF0];
	v52 =	vshrl.u32 v48, $0x10;
	v49 =	vadd.s32 v46, v2  }
0xda: {  	v7 =	vand.u32 $0x1, v52;
	v2 =	vadd.s32 v2, v0;
	v1 =	vld.idx.msk [tilespmem:v46+s2+$0x0], $0xffff  }
0xdb: {  	v53 =	vadd.s32 v51, v7;
	v6 =	vld.idx.msk [tilespmem:v51+s16+$0x0], $0xffff  }
0xdc: {  	v7 =	vadd.s32 v7, v3;
	v0 =	vld.idx.msk [tilespmem:v0+s2+$0x0], $0xffff  }
0xdd: {  	v3 =	vld.idx.msk [tilespmem:v3+s16+$0x0], $0xffff  }
0xde: {  	v4 =	vld.idx.msk [tilespmem:v49+s2+$0x0], $0xffff  }
0xdf: {  	v2 =	vld.idx.msk [tilespmem:v2+s2+$0x0], $0xffff  }
0xe0: {  	v8 =	vld.idx.msk [tilespmem:v53+s16+$0x0], $0xffff  }
0xe1: {  	v7 =	vld.idx.msk [tilespmem:v7+s16+$0x0], $0xffff  }
0xe2: {  	v11 =	vld [tilespmem:$0x19CF0];
	v55 =	vshll.u32 v50, $0x10;
	v57 =	vshll.u32 v54, $0x10  }
0xe3: {  	v56 =	vld [tilespmem:$0x1B1F0];
	v1 =	vmul.f32 v55, v1;
	v6 =	vmul.f32 v57, v6  }
0xe4: {  	v0 =	vmul.f32 v50, v0;
	v3 =	vmul.f32 v54, v3  }
0xe5: {  	v4 =	vmul.f32 v55, v4;
	v2 =	vmul.f32 v50, v2  }
0xe6: {  	v8 =	vmul.f32 v57, v8;
	v7 =	vmul.f32 v54, v7  }
0xe7: {  	v59 =	vshll.u32 v11, $0x10;
	v0 =	vadd.f32 v0, v1;
	v3 =	vadd.f32 v3, v6  }
0xe8: {  	v61 =	vshll.u32 v56, $0x10;
	v58 =	vadd.f32 v2, v4;
	v60 =	vadd.f32 v7, v8  }
0xe9: {  	v0 =	vmul.f32 v59, v0;
	v2 =	vmul.f32 v61, v3  }
0xea: {  	v1 =	vmul.f32 v11, v58;
	v62 =	vmul.f32 v56, v60;
	_ =	sdelay $0x1  }
0xeb: {  	p1 =	sne.s32 s23, $0xD;
	v0 =	vadd.f32 v1, v0;
	v63 =	vadd.f32 v62, v2  }
.Ltmp1:
0xec: {  	_ = 	snop;
	(pc) =	sbr.rel @p1 .LBB2_7-.Ltmp1, $4  }
0xed: {  	s20 =	sadd.s32 s3, s19;
	v0 =	vadd.f32 v63, v0  }
0xee: {  	s20 =	sshrl.u32 s20, $0x3  }
0xef: {  	s20 =	sadd.s32 s11, s20;
	[tilespmem:$0x1E2F0] =	vst v0  }
0xf0: {  	[hbm4b:s20+s14] =	stream.strided.scatter [tilespmem:s0], [sflag:$0x4], $0x700, s15, s14, $0x38;
	[tilespmem:$0x1EA00] =	vst v63  }
.Ltmp2:
0xf1: {  	(pc) =	sbr.rel .LBB2_8-.Ltmp2, $4  }
0xf2: {  	_ = 	snop  }
0xf3: {  	_ =	swait.ge [sflag:s5], $0x2A00  }
0xf4: {  	[sflag:s5] =	ssyncset.done $0x0  }
0xf5: {  	[sflag:s5] =	ssyncadd.s32 $0xFFFFD600  }
.LBB2_7:
0xf6: {  	s19 =	sadd.s32 s19, s17  }
0xf7: {  	s19 =	sshrl.u32 s19, $0x3  }
0xf8: {  	s21 =	simm.s32 $0x18800;
	s20 =	sadd.s32 s4, s19  }
0xf9: {  	[tilespmem:s21], [sflag:$0x2] =	stream.strided.gather [hbm4b:s20+s14], $0x700, s15, s14, $0x38;
	[tilespmem:$0x1EA00] =	vst v63  }
0xfa: {  	s25 =	simm.s32 $0x18F00;
	s24 =	sadd.s32 s6, s19  }
0xfb: {  	[tilespmem:s25], [sflag:$0x2] =	stream.strided.gather [hbm4b:s24+s14], $0x700, s15, s14, $0x38;
	[tilespmem:$0x1EA00] =	vst v63  }
0xfc: {  	s22 =	simm.s32 $0x19600;
	s21 =	sadd.s32 s7, s19  }
0xfd: {  	[tilespmem:s22], [sflag:$0x2] =	stream.strided.gather [hbm4b:s21+s14], $0x700, s15, s14, $0x38;
	[tilespmem:$0x1EA00] =	vst v63  }
0xfe: {  	s24 =	sadd.s32 s8, s19;
	s25 =	simm.s32 $0x19D00  }
0xff: {  	[tilespmem:s25], [sflag:$0x2] =	stream.strided.gather [hbm4b:s24+s14], $0x700, s15, s14, $0x38;
	[tilespmem:$0x1EA00] =	vst v63  }
0x100: {  	s22 =	sadd.s32 s9, s19;
	s24 =	simm.s32 $0x1A400  }
0x101: {  	[tilespmem:s24], [sflag:$0x2] =	stream.strided.gather [hbm4b:s22+s14], $0x700, s15, s14, $0x38;
	[tilespmem:$0x1EA00] =	vst v63  }
.Ltmp3:
0x102: {  	s19 =	sadd.s32 s10, s19;
	s25 =	simm.s32 $0x1AB00;
	(pc) =	sbr.rel @p0 .LBB2_9-.Ltmp3, $4  }
0x103: {  	[tilespmem:s25], [sflag:$0x2] =	stream.strided.gather [hbm4b:s19+s14], $0x700, s15, s14, $0x38;
	[tilespmem:$0x1EA00] =	vst v63  }
0x104: {  	_ =	swait.ge [sflag:s5], $0x2A00  }
0x105: {  	[sflag:s5] =	ssyncset.done $0x0  }
0x106: {  	[sflag:s5] =	ssyncadd.s32 $0xFFFFD600  }
.LBB2_8:
0x107: {  	_ =	swait.ge [sflag:s13], $0x700  }
0x108: {  	[sflag:s13] =	ssyncset.done $0x0  }
0x109: {  	[sflag:s13] =	ssyncadd.s32 $0xFFFFF900  }
.LBB2_9:
0x10a: {  	s20 =	simm.s32 $0x1C710  }
0x10b: {  	v1 =	vld [tilespmem:s20+$0xFFFFEAF0]  }
0x10c: {  	v4 =	vld [tilespmem:s20+$0xFFFFEB00]  }
0x10d: {  	v5 =	vld [tilespmem:s20+$0x0]  }
0x10e: {  	v7 =	vld [tilespmem:s20+$0xFFFFEB10]  }
0x10f: {  	v15 =	vld [tilespmem:s20+$0x10]  }
0x110: {  	v18 =	vld [tilespmem:s20+$0xFFFFF200]  }
0x111: {  	s19 =	simm.s32 $0x0;
	v25 =	vld [tilespmem:s20+$0x700]  }
0x112: {  	s19 =	sand.u32 $0x7F0, s19;
	v26 =	vld [tilespmem:s20+$0xFFFFF210]  }
0x113: {  	v0 =	vld [tilespmem:s19+$0x1C700]  }
0x114: {  	v28 =	vld [tilespmem:s20+$0x710]  }
0x115: {  	v8 =	vld [tilespmem:s19+$0x1B900];
	v9 =	vand.u32 $0xFFFF, v1  }
0x116: {  	v11 =	vld [tilespmem:s19+$0x1CE00];
	v10 =	vshrl.u32 v1, $0x10;
	v1 =	vshrl.u32 v1, $0x18;
	v13 =	vand.u32 $0xFFFF, v4  }
0x117: {  	v20 =	vld [tilespmem:s19+$0x1D500];
	v14 =	vshrl.u32 v4, $0x10;
	v4 =	vshrl.u32 v4, $0x18;
	v16 =	vand.u32 $0xFFFF, v5  }
0x118: {  	v22 =	vld [tilespmem:s19+$0x1C000];
	s19 =	simm.s32 $0x30;
	v17 =	vshrl.u32 v5, $0x10;
	v5 =	vshrl.u32 v5, $0x18;
	v2 =	vand.u32 $0xFFFF, v0  }
0x119: {  	v63 =	vld [tilespmem:s20+$0xE10];
	s21 =	sand.u32 $0x7F0, s19;
	v21 =	vand.u32 $0xFFFF, v7;
	v23 =	vshrl.u32 v7, $0x10;
	v1 =	vadd.s32 v1, v9  }
0x11a: {  	v62 =	vld [tilespmem:s21+$0x1C700];
	v7 =	vshrl.u32 v7, $0x18;
	v3 =	vshrl.u32 v0, $0x10;
	v4 =	vadd.s32 v4, v13  }
0x11b: {  	v47 =	vld [tilespmem:s21+$0x1CE00];
	v0 =	vshrl.u32 v0, $0x18;
	v10 =	vand.u32 $0x1, v10;
	v5 =	vadd.s32 v5, v16  }
0x11c: {  	v7 =	vadd.s32 v7, v21;
	v3 =	vand.u32 $0x1, v3;
	v12 =	vadd.s32 v9, v10;
	v9 =	vld.idx.msk [tilespmem:v9+s2+$0x0], $0xffff  }
0x11d: {  	v0 =	vadd.s32 v0, v2;
	v6 =	vadd.s32 v2, v3;
	v2 =	vld.idx.msk [tilespmem:v2+s16+$0x0], $0xffff  }
0x11e: {  	v14 =	vand.u32 $0x1, v14;
	v10 =	vadd.s32 v10, v1;
	v1 =	vld.idx.msk [tilespmem:v1+s2+$0x0], $0xffff  }
0x11f: {  	v17 =	vand.u32 $0x1, v17;
	v19 =	vadd.s32 v13, v14;
	v14 =	vadd.s32 v14, v4;
	v4 =	vld.idx.msk [tilespmem:v4+s2+$0x0], $0xffff  }
0x120: {  	v23 =	vand.u32 $0x1, v23;
	v24 =	vadd.s32 v16, v17;
	v17 =	vadd.s32 v17, v5;
	v5 =	vld.idx.msk [tilespmem:v5+s16+$0x0], $0xffff  }
0x121: {  	v27 =	vadd.s32 v21, v23;
	v23 =	vadd.s32 v23, v7;
	v7 =	vld.idx.msk [tilespmem:v7+s2+$0x0], $0xffff  }
0x122: {  	v3 =	vadd.s32 v3, v0;
	v0 =	vld.idx.msk [tilespmem:v0+s16+$0x0], $0xffff  }
0x123: {  	v12 =	vld.idx.msk [tilespmem:v12+s2+$0x0], $0xffff  }
0x124: {  	v29 =	vshrl.u32 v15, $0x10;
	v10 =	vld.idx.msk [tilespmem:v10+s2+$0x0], $0xffff  }
0x125: {  	v30 =	vand.u32 $0xFFFF, v15;
	v15 =	vshrl.u32 v15, $0x18;
	v29 =	vand.u32 $0x1, v29;
	v14 =	vld.idx.msk [tilespmem:v14+s2+$0x0], $0xffff  }
0x126: {  	v31 =	vshll.u32 v11, $0x10;
	v15 =	vadd.s32 v15, v30;
	v33 =	vshll.u32 v8, $0x10;
	v6 =	vld.idx.msk [tilespmem:v6+s16+$0x0], $0xffff  }
0x127: {  	v32 =	vadd.s32 v30, v29;
	v3 =	vld.idx.msk [tilespmem:v3+s16+$0x0], $0xffff;
	v9 =	vmul.f32 v33, v9;
	v2 =	vmul.f32 v31, v2  }
0x128: {  	v29 =	vadd.s32 v29, v15;
	v17 =	vld.idx.msk [tilespmem:v17+s16+$0x0], $0xffff;
	v1 =	vmul.f32 v8, v1;
	v4 =	vmul.f32 v18, v4  }
0x129: {  	v19 =	vld.idx.msk [tilespmem:v19+s2+$0x0], $0xffff;
	v5 =	vmul.f32 v25, v5;
	v7 =	vmul.f32 v26, v7  }
0x12a: {  	v24 =	vld.idx.msk [tilespmem:v24+s16+$0x0], $0xffff;
	v0 =	vmul.f32 v11, v0;
	v8 =	vmul.f32 v8, v10  }
0x12b: {  	v50 =	vshll.u32 v63, $0x10;
	v27 =	vld.idx.msk [tilespmem:v27+s2+$0x0], $0xffff;
	v14 =	vmul.f32 v18, v14;
	v6 =	vmul.f32 v31, v6  }
0x12c: {  	v23 =	vld.idx.msk [tilespmem:v23+s2+$0x0], $0xffff;
	v10 =	vshll.u32 v22, $0x10;
	v3 =	vmul.f32 v11, v3;
	v11 =	vmul.f32 v33, v12  }
0x12d: {  	v17 =	vmul.f32 v25, v17;
	v1 =	vadd.f32 v1, v9;
	v9 =	vld.idx.msk [tilespmem:v29+s16+$0x0], $0xffff;
	v0 =	vadd.f32 v0, v2  }
0x12e: {  	v12 =	vld.idx.msk [tilespmem:v16+s16+$0x0], $0xffff;
	v2 =	vadd.f32 v3, v6;
	v6 =	vadd.f32 v8, v11;
	v8 =	vshll.u32 v20, $0x10  }
0x12f: {  	v41 =	vshrl.u32 v62, $0x18;
	v3 =	vld.idx.msk [tilespmem:v32+s16+$0x0], $0xffff;
	v1 =	vmul.f32 v10, v1;
	v0 =	vmul.f32 v8, v0  }
0x130: {  	v10 =	vld.idx.msk [tilespmem:v13+s2+$0x0], $0xffff;
	v11 =	vshll.u32 v18, $0x10;
	v2 =	vmul.f32 v20, v2;
	v6 =	vmul.f32 v22, v6  }
0x131: {  	v61 =	vmul.f32 v26, v23;
	v13 =	vshll.u32 v26, $0x10;
	v8 =	vld.idx.msk [tilespmem:v15+s16+$0x0], $0xffff;
	v15 =	vmul.f32 v11, v19  }
0x132: {  	v16 =	vld.idx.msk [tilespmem:v30+s16+$0x0], $0xffff;
	v60 =	vmul.f32 v13, v27;
	v1 =	vadd.f32 v6, v1;
	v0 =	vadd.f32 v2, v0  }
0x133: {  	v19 =	vld [tilespmem:s20+$0xFFFFF900];
	v20 =	vshll.u32 v28, $0x10;
	v14 =	vadd.f32 v14, v15;
	v2 =	vshll.u32 v25, $0x10  }
0x134: {  	v15 =	vld [tilespmem:s20+$0xE00];
	v9 =	vmul.f32 v28, v9;
	v0 =	vadd.f32 v0, v1;
	v1 =	vmul.f32 v2, v24  }
0x135: {  	v18 =	vadd.f32 v61, v60;
	v6 =	vld.idx.msk [tilespmem:v21+s2+$0x0], $0xffff;
	v3 =	vmul.f32 v20, v3;
	v2 =	vmul.f32 v2, v12  }
0x136: {  	v10 =	vmul.f32 v11, v10;
	v11 =	vand.u32 $0xFFFF, v62;
	v1 =	vadd.f32 v17, v1;
	v17 =	vld [tilespmem:s20+$0xFFFFF910]  }
0x137: {  	v12 =	vshrl.u32 v62, $0x10;
	s20 =	simm.s32 $0x1C740;
	v2 =	vadd.f32 v5, v2;
	v5 =	vmul.f32 v20, v16;
	v16 =	vld [tilespmem:s21+$0x1B900]  }
0x138: {  	v3 =	vadd.f32 v9, v3;
	v4 =	vadd.f32 v4, v10;
	v10 =	vand.u32 $0x1, v12;
	v9 =	vld [tilespmem:s20+$0xFFFFEAF0]  }
0x139: {  	v8 =	vmul.f32 v28, v8;
	v12 =	vadd.s32 v41, v11;
	v44 =	vadd.s32 v11, v10;
	v42 =	vld [tilespmem:s20+$0xFFFFEB00]  }
0x13a: {  	v10 =	vadd.s32 v10, v12;
	v48 =	vshll.u32 v15, $0x10;
	v43 =	vld [tilespmem:s20+$0x0];
	v6 =	vmul.f32 v13, v6  }
0x13b: {  	v13 =	vshll.u32 v19, $0x10;
	v45 =	vld [tilespmem:s20+$0xFFFFEB10];
	v19 =	vmul.f32 v19, v14;
	v21 =	vmul.f32 v63, v3  }
0x13c: {  	v37 =	vld [tilespmem:s20+$0x10];
	v5 =	vadd.f32 v8, v5;
	v38 =	vmul.f32 v15, v1;
	v1 =	vshll.u32 v47, $0x10  }
0x13d: {  	v39 =	vld [tilespmem:s20+$0xFFFFF200];
	v13 =	vmul.f32 v13, v4;
	v61 =	vmul.f32 v48, v2;
	v6 =	vadd.f32 v7, v6  }
0x13e: {  	v55 =	vld [tilespmem:s20+$0x700];
	v20 =	vand.u32 $0xFFFF, v9;
	v46 =	vshrl.u32 v9, $0x10;
	v9 =	vshrl.u32 v9, $0x18  }
0x13f: {  	v11 =	vld.idx.msk [tilespmem:v11+s16+$0x0], $0xffff;
	v19 =	vadd.f32 v19, v13;
	v7 =	vand.u32 $0x1, v46;
	v9 =	vadd.s32 v9, v20  }
0x140: {  	v12 =	vld.idx.msk [tilespmem:v12+s16+$0x0], $0xffff;
	v49 =	vshll.u32 v17, $0x10;
	v18 =	vmul.f32 v17, v18;
	v8 =	vadd.s32 v20, v7  }
0x141: {  	v24 =	vld.idx.msk [tilespmem:v44+s16+$0x0], $0xffff;
	v17 =	vshll.u32 v16, $0x10;
	v51 =	vand.u32 $0xFFFF, v42;
	v7 =	vadd.s32 v7, v9  }
0x142: {  	v10 =	vld.idx.msk [tilespmem:v10+s16+$0x0], $0xffff;
	v52 =	vshrl.u32 v42, $0x10;
	v23 =	vshrl.u32 v42, $0x18;
	v53 =	vand.u32 $0xFFFF, v43  }
0x143: {  	v54 =	vshrl.u32 v43, $0x10;
	v22 =	vshrl.u32 v43, $0x18;
	v34 =	vand.u32 $0xFFFF, v45;
	v20 =	vld.idx.msk [tilespmem:v20+s2+$0x0], $0xffff  }
0x144: {  	v35 =	vshrl.u32 v45, $0x10;
	v25 =	vshrl.u32 v45, $0x18;
	v57 =	vshrl.u32 v37, $0x10;
	v9 =	vld.idx.msk [tilespmem:v9+s2+$0x0], $0xffff  }
0x145: {  	v31 =	vand.u32 $0x1, v52;
	v23 =	vadd.s32 v23, v51;
	v33 =	vand.u32 $0x1, v54;
	v8 =	vld.idx.msk [tilespmem:v8+s2+$0x0], $0xffff  }
0x146: {  	v22 =	vadd.s32 v22, v53;
	v35 =	vand.u32 $0x1, v35;
	v25 =	vadd.s32 v25, v34;
	v7 =	vld.idx.msk [tilespmem:v7+s2+$0x0], $0xffff  }
0x147: {  	v15 =	vld [tilespmem:s21+$0x1D500];
	v3 =	vmul.f32 v1, v11;
	v36 =	vadd.s32 v51, v31;
	v31 =	vadd.s32 v31, v23  }
0x148: {  	v14 =	vadd.s32 v53, v33;
	v33 =	vadd.s32 v33, v22;
	v11 =	vmul.f32 v47, v12;
	v12 =	vld [tilespmem:s21+$0x1C000]  }
0x149: {  	v41 =	vld [tilespmem:s20+$0xFFFFF210];
	v40 =	vadd.s32 v34, v35;
	v24 =	vmul.f32 v1, v24;
	v10 =	vmul.f32 v47, v10  }
0x14a: {  	v1 =	vld [tilespmem:s20+$0x710];
	v11 =	vadd.f32 v11, v3;
	v20 =	vmul.f32 v17, v20;
	v9 =	vmul.f32 v16, v9  }
0x14b: {  	v3 =	vand.u32 $0xFFFF, v37;
	v23 =	vld.idx.msk [tilespmem:v23+s2+$0x0], $0xffff;
	v8 =	vmul.f32 v17, v8;
	v7 =	vmul.f32 v16, v7  }
0x14c: {  	v10 =	vadd.f32 v10, v24;
	v56 =	vld.idx.msk [tilespmem:v31+s2+$0x0], $0xffff;
	v17 =	vadd.s32 v35, v25;
	v9 =	vadd.f32 v9, v20  }
0x14d: {  	v33 =	vld.idx.msk [tilespmem:v33+s16+$0x0], $0xffff;
	v16 =	vshll.u32 v12, $0x10;
	v7 =	vadd.f32 v7, v8;
	v8 =	vshll.u32 v15, $0x10  }
0x14e: {  	v20 =	vld.idx.msk [tilespmem:v36+s2+$0x0], $0xffff;
	v8 =	vmul.f32 v8, v11;
	v9 =	vmul.f32 v16, v9;
	v16 =	vand.u32 $0x1, v57  }
0x14f: {  	v11 =	vld.idx.msk [tilespmem:v14+s16+$0x0], $0xffff;
	v7 =	vmul.f32 v12, v7;
	v12 =	vshrl.u32 v37, $0x18;
	v59 =	vadd.s32 v3, v16  }
0x150: {  	v5 =	vmul.f32 v50, v5;
	v6 =	vmul.f32 v49, v6;
	v58 =	vld.idx.msk [tilespmem:v40+s2+$0x0], $0xffff;
	v12 =	vadd.s32 v12, v3  }
0x151: {  	s21 =	simm.s32 $0x1E310;
	v10 =	vmul.f32 v15, v10;
	v7 =	vadd.f32 v7, v9;
	v9 =	vld.idx.msk [tilespmem:v17+s2+$0x0], $0xffff;
	v17 =	vadd.s32 v16, v12  }
0x152: {  	v21 =	vadd.f32 v21, v5;
	[tilespmem:s21+$0xFFFFFFF0] =	vst v0;
	v60 =	vld.idx.msk [tilespmem:v25+s2+$0x0], $0xffff;
	v0 =	vmul.f32 v39, v56;
	v14 =	vshll.u32 v39, $0x10  }
0x153: {  	v8 =	vadd.f32 v10, v8;
	v16 =	vshll.u32 v55, $0x10;
	v10 =	vmul.f32 v14, v20;
	v20 =	vld.idx.msk [tilespmem:v22+s16+$0x0], $0xffff  }
0x154: {  	v2 =	vmul.f32 v55, v33;
	v15 =	vshll.u32 v41, $0x10;
	v11 =	vmul.f32 v16, v11;
	v4 =	vld.idx.msk [tilespmem:v59+s16+$0x0], $0xffff  }
0x155: {  	v62 =	vmul.f32 v15, v58;
	v8 =	vadd.f32 v8, v7;
	v0 =	vadd.f32 v0, v10;
	v10 =	vld.idx.msk [tilespmem:v12+s16+$0x0], $0xffff  }
0x156: {  	s22 =	simm.s32 $0x1E340;
	v2 =	vadd.f32 v2, v11;
	v12 =	vadd.f32 v38, v61;
	v7 =	vld.idx.msk [tilespmem:v17+s16+$0x0], $0xffff;
	v11 =	vmul.f32 v41, v9  }
0x157: {  	v63 =	vadd.f32 v18, v6;
	v13 =	vld.idx.msk [tilespmem:v51+s2+$0x0], $0xffff;
	[tilespmem:s22+$0xFFFFFFF0] =	vst v8;
	v8 =	vmul.f32 v41, v60  }
0x158: {  	v18 =	vld.idx.msk [tilespmem:v53+s16+$0x0], $0xffff;
	v17 =	vshll.u32 v1, $0x10;
	v6 =	vadd.f32 v11, v62;
	v11 =	vadd.f32 v12, v19  }
0x159: {  	v9 =	vmul.f32 v39, v23;
	v5 =	vmul.f32 v55, v20;
	v19 =	vld.idx.msk [tilespmem:v34+s2+$0x0], $0xffff;
	v12 =	vadd.f32 v21, v63  }
.LBB2_10:
0x15a: {  	s19 =	sadd.s32 $0x30, s19;
	v3 =	vld.idx.msk [tilespmem:v3+s16+$0x0], $0xffff;
	v4 =	vmul.f32 v17, v4;
	[tilespmem:s21+$0x0] =	vst v11  }
0x15b: {  	v7 =	vmul.f32 v1, v7;
	s24 =	sand.u32 $0x7F0, s19;
	v20 =	vld [tilespmem:s20+$0xFFFFF900];
	[tilespmem:s21+$0x10] =	vst v12;
	s21 =	smov.u32 s22  }
0x15c: {  	v1 =	vmul.f32 v1, v10;
	v11 =	vld [tilespmem:s24+$0x1C700]  }
0x15d: {  	v10 =	vmul.f32 v14, v13;
	v21 =	vadd.f32 v7, v4;
	v14 =	vld [tilespmem:s20+$0xE00]  }
0x15e: {  	v12 =	vmul.f32 v16, v18;
	v16 =	vld [tilespmem:s20+$0xFFFFF910]  }
0x15f: {  	p0 =	slt.u32 s19, $0x6C0;
	v4 =	vadd.f32 v9, v10;
	v9 =	vmul.f32 v15, v19;
	v15 =	vld [tilespmem:s20+$0xE10];
	s20 =	sadd.s32 $0x30, s20  }
0x160: {  	v5 =	vadd.f32 v5, v12;
	v3 =	vmul.f32 v17, v3;
	v18 =	vld [tilespmem:s20+$0xFFFFEAF0];
	v7 =	vshll.u32 v20, $0x10  }
0x161: {  	v17 =	vand.u32 $0xFFFF, v11;
	v10 =	vshrl.u32 v11, $0x10;
	v11 =	vshrl.u32 v11, $0x18;
	v19 =	vld [tilespmem:s20+$0xFFFFEB00]  }
0x162: {  	v8 =	vadd.f32 v8, v9;
	v10 =	vand.u32 $0x1, v10;
	v22 =	vadd.s32 v11, v17;
	v23 =	vld [tilespmem:s20+$0x0]  }
0x163: {  	v9 =	vadd.f32 v1, v3;
	v12 =	vshll.u32 v14, $0x10;
	v24 =	vadd.s32 v17, v10;
	v25 =	vld [tilespmem:s20+$0xFFFFEB10]  }
0x164: {  	v3 =	vadd.s32 v10, v22;
	v13 =	vshll.u32 v16, $0x10;
	v1 =	vld [tilespmem:s24+$0x1B900];
	v10 =	vshll.u32 v15, $0x10  }
0x165: {  	v26 =	vand.u32 $0xFFFF, v18;
	v11 =	vshrl.u32 v18, $0x10;
	v18 =	vshrl.u32 v18, $0x18;
	v27 =	vld [tilespmem:s24+$0x1CE00]  }
0x166: {  	v28 =	vand.u32 $0x1, v11;
	v18 =	vadd.s32 v18, v26;
	v17 =	vld.idx.msk [tilespmem:v17+s16+$0x0], $0xffff;
	v11 =	vand.u32 $0xFFFF, v19  }
0x167: {  	v30 =	vshrl.u32 v19, $0x10;
	v19 =	vshrl.u32 v19, $0x18;
	v29 =	vadd.s32 v26, v28;
	v22 =	vld.idx.msk [tilespmem:v22+s16+$0x0], $0xffff  }
0x168: {  	v28 =	vadd.s32 v28, v18;
	v31 =	vand.u32 $0xFFFF, v23;
	v32 =	vshrl.u32 v23, $0x10;
	v24 =	vld.idx.msk [tilespmem:v24+s16+$0x0], $0xffff  }
0x169: {  	v23 =	vshrl.u32 v23, $0x18;
	v33 =	vand.u32 $0xFFFF, v25;
	v34 =	vshrl.u32 v25, $0x10;
	v3 =	vld.idx.msk [tilespmem:v3+s16+$0x0], $0xffff  }
0x16a: {  	v30 =	vand.u32 $0x1, v30;
	v19 =	vadd.s32 v19, v11;
	v25 =	vshrl.u32 v25, $0x18;
	v26 =	vld.idx.msk [tilespmem:v26+s2+$0x0], $0xffff  }
0x16b: {  	v32 =	vand.u32 $0x1, v32;
	v23 =	vadd.s32 v23, v31;
	v34 =	vand.u32 $0x1, v34;
	v18 =	vld.idx.msk [tilespmem:v18+s2+$0x0], $0xffff  }
0x16c: {  	v35 =	vadd.s32 v11, v30;
	v30 =	vadd.s32 v30, v19;
	v25 =	vadd.s32 v25, v33;
	v29 =	vld.idx.msk [tilespmem:v29+s2+$0x0], $0xffff  }
0x16d: {  	v36 =	vadd.s32 v31, v32;
	v32 =	vadd.s32 v32, v23;
	v37 =	vadd.s32 v33, v34;
	v28 =	vld.idx.msk [tilespmem:v28+s2+$0x0], $0xffff  }
0x16e: {  	v20 =	vmul.f32 v20, v0;
	v39 =	vmul.f32 v14, v2;
	v34 =	vadd.s32 v34, v25;
	v38 =	vld [tilespmem:s20+$0x10]  }
0x16f: {  	v6 =	vmul.f32 v16, v6;
	v21 =	vmul.f32 v15, v21;
	v0 =	vshll.u32 v27, $0x10;
	v40 =	vld [tilespmem:s20+$0xFFFFF200]  }
0x170: {  	v14 =	vmul.f32 v0, v17;
	v15 =	vmul.f32 v27, v22;
	v2 =	vld [tilespmem:s24+$0x1D500]  }
0x171: {  	v17 =	vshll.u32 v1, $0x10;
	v0 =	vmul.f32 v0, v24;
	v22 =	vmul.f32 v27, v3;
	v16 =	vld [tilespmem:s24+$0x1C000]  }
0x172: {  	v24 =	vmul.f32 v17, v26;
	v18 =	vmul.f32 v1, v18;
	v26 =	vld [tilespmem:s20+$0x700]  }
0x173: {  	v17 =	vmul.f32 v17, v29;
	v27 =	vmul.f32 v1, v28;
	v28 =	vld [tilespmem:s20+$0xFFFFF210];
	v3 =	vand.u32 $0xFFFF, v38  }
0x174: {  	v14 =	vadd.f32 v15, v14;
	v0 =	vadd.f32 v22, v0;
	v15 =	vshrl.u32 v38, $0x10;
	v1 =	vld [tilespmem:s20+$0x710]  }
0x175: {  	v18 =	vadd.f32 v18, v24;
	v17 =	vadd.f32 v27, v17;
	v22 =	vshll.u32 v2, $0x10;
	v24 =	vld.idx.msk [tilespmem:v35+s2+$0x0], $0xffff  }
0x176: {  	v0 =	vmul.f32 v2, v0;
	v27 =	vshll.u32 v16, $0x10;
	v22 =	vmul.f32 v22, v14;
	v2 =	vld.idx.msk [tilespmem:v30+s2+$0x0], $0xffff  }
0x177: {  	v16 =	vmul.f32 v16, v17;
	v17 =	vshrl.u32 v38, $0x18;
	v18 =	vmul.f32 v27, v18;
	v27 =	vld.idx.msk [tilespmem:v36+s16+$0x0], $0xffff  }
0x178: {  	v14 =	vshll.u32 v40, $0x10;
	v30 =	vand.u32 $0x1, v15;
	v29 =	vld.idx.msk [tilespmem:v32+s16+$0x0], $0xffff;
	v32 =	vadd.s32 v17, v3  }
0x179: {  	v0 =	vadd.f32 v0, v22;
	v22 =	vadd.s32 v3, v30;
	v17 =	vadd.f32 v16, v18;
	v18 =	vld.idx.msk [tilespmem:v37+s2+$0x0], $0xffff  }
0x17a: {  	v15 =	vshll.u32 v28, $0x10;
	v16 =	vshll.u32 v26, $0x10;
	v30 =	vadd.s32 v30, v32;
	v34 =	vld.idx.msk [tilespmem:v34+s2+$0x0], $0xffff  }
0x17b: {  	v24 =	vmul.f32 v14, v24;
	v0 =	vadd.f32 v0, v17;
	v19 =	vld.idx.msk [tilespmem:v19+s2+$0x0], $0xffff;
	v17 =	vshll.u32 v1, $0x10  }
0x17c: {  	s22 =	sadd.s32 $0x30, s22;
	v35 =	vmul.f32 v7, v4;
	v2 =	vmul.f32 v40, v2;
	v23 =	vld.idx.msk [tilespmem:v23+s16+$0x0], $0xffff  }
0x17d: {  	v5 =	vmul.f32 v12, v5;
	v27 =	vmul.f32 v16, v27;
	[tilespmem:s22+$0xFFFFFFF0] =	vst v0;
	v25 =	vld.idx.msk [tilespmem:v25+s2+$0x0], $0xffff  }
0x17e: {  	v8 =	vmul.f32 v13, v8;
	v0 =	vadd.f32 v2, v24;
	v2 =	vmul.f32 v26, v29;
	v4 =	vld.idx.msk [tilespmem:v22+s16+$0x0], $0xffff  }
.Ltmp4:
0x17f: {  	v20 =	vadd.f32 v20, v35;
	v12 =	vmul.f32 v15, v18;
	v18 =	vmul.f32 v10, v9;
	v7 =	vld.idx.msk [tilespmem:v30+s16+$0x0], $0xffff;
	(pc) =	sbr.rel @p0 .LBB2_10-.Ltmp4, $4  }
0x180: {  	v24 =	vadd.f32 v39, v5;
	v2 =	vadd.f32 v2, v27;
	v22 =	vmul.f32 v28, v34;
	v10 =	vld.idx.msk [tilespmem:v32+s16+$0x0], $0xffff  }
0x181: {  	v27 =	vadd.f32 v6, v8;
	v9 =	vmul.f32 v40, v19;
	v21 =	vadd.f32 v21, v18;
	v13 =	vld.idx.msk [tilespmem:v11+s2+$0x0], $0xffff  }
0x182: {  	v5 =	vmul.f32 v26, v23;
	v6 =	vadd.f32 v22, v12;
	v11 =	vadd.f32 v24, v20;
	v18 =	vld.idx.msk [tilespmem:v31+s16+$0x0], $0xffff  }
0x183: {  	v8 =	vmul.f32 v28, v25;
	v12 =	vadd.f32 v21, v27;
	v19 =	vld.idx.msk [tilespmem:v33+s2+$0x0], $0xffff  }
0x184: {  	_ =	sdelay $0x3  }
0x185: {  	v3 =	vld.idx.msk [tilespmem:v3+s16+$0x0], $0xffff  }
0x186: {  	v20 =	vld [tilespmem:s20+$0xFFFFF900]  }
0x187: {  	v21 =	vld [tilespmem:s20+$0xE00]  }
0x188: {  	v4 =	vmul.f32 v17, v4;
	v7 =	vmul.f32 v1, v7;
	v22 =	vld [tilespmem:s20+$0xFFFFF910]  }
0x189: {  	v39 =	vld [tilespmem:s20+$0xE10];
	v37 =	vmul.f32 v1, v10;
	v38 =	vmul.f32 v14, v13  }
0x18a: {  	v4 =	vadd.f32 v7, v4;
	v40 =	vmul.f32 v16, v18;
	v41 =	vmul.f32 v15, v19  }
0x18b: {  	v9 =	vadd.f32 v9, v38;
	v42 =	vshll.u32 v20, $0x10;
	v3 =	vmul.f32 v17, v3  }
0x18c: {  	v5 =	vadd.f32 v5, v40;
	v44 =	vshll.u32 v21, $0x10;
	v0 =	vmul.f32 v20, v0  }
0x18d: {  	v2 =	vmul.f32 v21, v2;
	v45 =	vshll.u32 v22, $0x10;
	v6 =	vmul.f32 v22, v6  }
0x18e: {  	v4 =	vmul.f32 v39, v4;
	v43 =	vadd.f32 v8, v41;
	v1 =	vadd.f32 v37, v3  }
0x18f: {  	v13 =	vshll.u32 v39, $0x10;
	v9 =	vmul.f32 v42, v9;
	v5 =	vmul.f32 v44, v5  }
0x190: {  	v3 =	vmul.f32 v45, v43;
	v1 =	vmul.f32 v13, v1  }
0x191: {  	v0 =	vadd.f32 v0, v9;
	v2 =	vadd.f32 v2, v5  }
0x192: {  	v3 =	vadd.f32 v6, v3;
	v1 =	vadd.f32 v4, v1  }
0x193: {  	[tilespmem:s21+$0x0] =	vst v11;
	v0 =	vadd.f32 v2, v0  }
0x194: {  	[tilespmem:s21+$0x10] =	vst v12;
	v1 =	vadd.f32 v1, v3  }
0x195: {  	[tilespmem:s22+$0x0] =	vst v0  }
0x196: {  	[tilespmem:s22+$0x10] =	vst v1  }
0x197: {  	v0 =	vld [tilespmem:$0x1B8F0]  }
0x198: {  	v48 =	vld [tilespmem:$0x1CDF0];
	_ =	sdelay $0x3  }
0x199: {  	v46 =	vand.u32 $0xFFFF, v0  }
0x19a: {  	v47 =	vshrl.u32 v0, $0x10;
	v0 =	vshrl.u32 v0, $0x18;
	v51 =	vand.u32 $0xFFFF, v48  }
0x19b: {  	v3 =	vshrl.u32 v48, $0x18;
	v0 =	vadd.s32 v0, v46  }
0x19c: {  	v50 =	vld [tilespmem:$0x1BFF0];
	v2 =	vand.u32 $0x1, v47;
	v3 =	vadd.s32 v3, v51  }
0x19d: {  	v54 =	vld [tilespmem:$0x1D4F0];
	v52 =	vshrl.u32 v48, $0x10;
	v49 =	vadd.s32 v46, v2  }
0x19e: {  	v7 =	vand.u32 $0x1, v52;
	v2 =	vadd.s32 v2, v0;
	v1 =	vld.idx.msk [tilespmem:v46+s2+$0x0], $0xffff  }
0x19f: {  	v53 =	vadd.s32 v51, v7;
	v6 =	vld.idx.msk [tilespmem:v51+s16+$0x0], $0xffff  }
0x1a0: {  	v7 =	vadd.s32 v7, v3;
	v0 =	vld.idx.msk [tilespmem:v0+s2+$0x0], $0xffff  }
0x1a1: {  	v3 =	vld.idx.msk [tilespmem:v3+s16+$0x0], $0xffff  }
0x1a2: {  	v4 =	vld.idx.msk [tilespmem:v49+s2+$0x0], $0xffff  }
0x1a3: {  	v2 =	vld.idx.msk [tilespmem:v2+s2+$0x0], $0xffff  }
0x1a4: {  	v8 =	vld.idx.msk [tilespmem:v53+s16+$0x0], $0xffff  }
0x1a5: {  	v7 =	vld.idx.msk [tilespmem:v7+s16+$0x0], $0xffff  }
0x1a6: {  	v11 =	vld [tilespmem:$0x1C6F0];
	v55 =	vshll.u32 v50, $0x10;
	v57 =	vshll.u32 v54, $0x10  }
0x1a7: {  	v56 =	vld [tilespmem:$0x1DBF0];
	v1 =	vmul.f32 v55, v1;
	v6 =	vmul.f32 v57, v6  }
0x1a8: {  	v0 =	vmul.f32 v50, v0;
	v3 =	vmul.f32 v54, v3  }
0x1a9: {  	v4 =	vmul.f32 v55, v4;
	v2 =	vmul.f32 v50, v2  }
0x1aa: {  	v8 =	vmul.f32 v57, v8;
	v7 =	vmul.f32 v54, v7  }
0x1ab: {  	v59 =	vshll.u32 v11, $0x10;
	v0 =	vadd.f32 v0, v1;
	v3 =	vadd.f32 v3, v6  }
0x1ac: {  	v61 =	vshll.u32 v56, $0x10;
	v58 =	vadd.f32 v2, v4;
	v60 =	vadd.f32 v7, v8  }
0x1ad: {  	v0 =	vmul.f32 v59, v0;
	v2 =	vmul.f32 v61, v3  }
0x1ae: {  	v1 =	vmul.f32 v11, v58;
	v62 =	vmul.f32 v56, v60  }
0x1af: {  	s23 =	sadd.s32 $0x1, s23  }
0x1b0: {  	p0 =	sne.s32 s23, $0xE;
	v0 =	vadd.f32 v1, v0;
	v63 =	vadd.f32 v62, v2  }
.Ltmp5:
0x1b1: {  	_ = 	snop;
	(pc) =	sbr.rel @p0 .LBB2_3-.Ltmp5, $4  }
0x1b2: {  	s18 =	sadd.s32 s3, s18;
	v0 =	vadd.f32 v63, v0  }
0x1b3: {  	s18 =	sshrl.u32 s18, $0x3  }
0x1b4: {  	s18 =	sadd.s32 s11, s18;
	[tilespmem:$0x1E9F0] =	vst v0  }
0x1b5: {  	[hbm4b:s18+s14] =	stream.strided.scatter [tilespmem:s1], [sflag:$0x5], $0x700, s15, s14, $0x38;
	[tilespmem:$0x1EA00] =	vst v63  }
0x1b6: {  	s3 =	simm.s32 $0x4  }
0x1b7: {  	_ =	swait.ge [sflag:s3], $0x700  }
0x1b8: {  	[sflag:s3] =	ssyncset.done $0x0  }
0x1b9: {  	[sflag:s3] =	ssyncadd.s32 $0xFFFFF900  }
0x1ba: {  	_ =	swait.ge [sflag:s13], $0x700  }
0x1bb: {  	s12 =	rddreg [dreg:$0x7]  }
0x1bc: {  	s12 =	sadd.s32 $0x1, s12  }
0x1bd: {  	p0 =	sne.s32 s12, $0x6  }
.Ltmp6:
0x1be: {  	_ = 	snop;
	(pc) =	sbr.rel @p0 .LBB2_2-.Ltmp6, $3  }
0x1bf: {  	_ =	sdelay $0x1  }
0x1c0: {  	[sflag:s13] =	ssyncset.done $0x0  }
0x1c1: {  	[sflag:s13] =	ssyncadd.s32 $0xFFFFF900  }
0x1c2: {  	s12 =	rddreg [dreg:$0x6]  }
0x1c3: {  	s3 =	rddreg [dreg:$0x5];
	s12 =	sadd.s32 $0x1, s12  }
0x1c4: {  	p0 =	sne.s32 s12, s3  }
.Ltmp7:
0x1c5: {  	_ = 	snop;
	(pc) =	sbr.rel @p0 .LBB2_1-.Ltmp7, $1  }
0x1c6: {  	_ =	sdelay $0x3  }
0x1c7: {  	_ =	sfence.sel $0x180000  }
0x1c8: {  	[bflag:$0x0] =	sbarrier.arrive $0xFFFF  }
0x1c9: {  	_ =	strace $0x90000047  }
0x1ca: {  	s0 =	stileid.u32;
	[bflag:$0x2] =	sbarrier.arrive $0xFFFF  }
0x1cb: {  	p0 =	sne.s32 s0, $0x0;
	s0 =	rddreg [dreg:$0x2]  }
0x1cc: {  	s0 =	sadd.s32 @!p0 $0x100000, s0  }
0x1cd: {  	[sflag:s0] =	ssyncadd.tile.s32 @!p0 $0x1;
	_ =	shalt  }
.Lfunc_end2:
_tile_overlayer_lowered:
.L_overlay_start_2:
0x1ce: {  	(tag) =	ssettag $0x2  }
0x1cf: {  	s0 =	rddreg [dreg:$0x0];
	s2 =	stileid.u32  }
0x1d0: {  	s1 =	rddreg [dreg:$0x1];
	p0 =	sne.s32 s2, $0x0  }
0x1d1: {  	s3 =	rddreg [dreg:$0x2];
	[bflag:$0x3] =	sbarrier.arrive $0xFFFF;
	s2 =	simm.s32 @!p0 $0x1C06  }
0x1d2: {  	[timem:s3], [sflag:s2] =	dma.local @!p0 [hbm:s0], s1  }
0x1d3: {  	s0 =	simm.s32 @!p0 $0x6  }
0x1d4: {  	_ =	swait.ge @!p0 [sflag:s0], s1  }
0x1d5: {  	s1 =	ssub.s32 @!p0 $0x0, s1;
	[sflag:s0] =	ssyncset.done @!p0 $0x0  }
0x1d6: {  	[sflag:s0] =	ssyncadd.s32 @!p0 s1  }
0x1d7: {  	[bflag:$0x3] =	sbarrier.arrive $0xFFFF  }
0x1d8: {  	_ =	shalt  }

</sc_bundles>
